<compile_context>
chip_gen: v7x
topology: tpu7x:2x2x1
jax: 0.10.2.dev20260603
libtpu: 0.0.44.dev20260713+nightly
codegen_flags: <defaults>
</compile_context>

<pallas_src>
import functools

import jax
import jax.numpy as jnp
from jax import lax
from jax.experimental import pallas as pl
from jax.experimental.pallas import tpu as pltpu
from jax.experimental.pallas import tpu_sc as plsc

_NUM_CORES = 2
_NUM_SUBCORES = 16
_NUM_WORKERS = _NUM_CORES * _NUM_SUBCORES
_LANES = 16


@functools.lru_cache(maxsize=None)
def _build_sc_kernel(Q, K, G):
    assert Q % _NUM_WORKERS == 0 and K % _LANES == 0
    q_per_w = Q // _NUM_WORKERS
    q_chunk = min(32, q_per_w)
    assert q_per_w % q_chunk == 0
    n_chunks = q_per_w // q_chunk
    elems_per_chunk = q_chunk * K
    n_buf = min(2, n_chunks)

    mesh = plsc.VectorSubcoreMesh(core_axis_name="c", subcore_axis_name="s")

    @functools.partial(
        pl.kernel,
        mesh=mesh,
        compiler_params=pltpu.CompilerParams(needs_layout_passes=False),
        out_type=jax.ShapeDtypeStruct((Q * K,), jnp.float32),
        scratch_types=[
            pltpu.VMEM_SHARED((G,), jnp.int32),
            pltpu.VMEM((G,), jnp.int32),
            pltpu.VMEM((q_per_w,), jnp.int32),
            [pltpu.VMEM((elems_per_chunk,), jnp.int32)] * n_chunks,
            [pltpu.VMEM((elems_per_chunk,), jnp.float32)] * n_buf,
            pltpu.SemaphoreType.DMA,
            [pltpu.SemaphoreType.DMA] * n_chunks,
            [pltpu.SemaphoreType.DMA] * n_buf,
        ],
    )
    def sc_kernel(idx_hbm, q_hbm, g_hbm, out_hbm,
                  g_sh, g_v, q_v, idx_bufs, out_bufs, g_sem, idx_sems, out_sems):
        sid = lax.axis_index("s")
        wid = sid * _NUM_CORES + lax.axis_index("c")
        qbase = wid * q_per_w

        def ebase(c):
            return qbase * K + c * elems_per_chunk

        idx_cps = [
            pltpu.async_copy(
                idx_hbm.at[pl.ds(ebase(c), elems_per_chunk)],
                idx_bufs[c], idx_sems[c])
            for c in range(n_chunks)
        ]
        out_cps = [None] * n_chunks

        @pl.when(sid == 0)
        def _():
            pltpu.sync_copy(g_hbm, g_sh)

        pltpu.sync_copy(q_hbm.at[pl.ds(qbase, q_per_w)], q_v)
        plsc.subcore_barrier()
        g_cp = pltpu.async_copy(g_sh, g_v, g_sem)
        g_cp.wait()

        for c in range(n_chunks):
            b = c % n_buf
            idx_v = idx_bufs[c]
            out_v = out_bufs[b]
            idx_cps[c].wait()
            if c - n_buf >= 0:
                out_cps[c - n_buf].wait()

            @plsc.parallel_loop(0, q_chunk, unroll=2)
            def body(cq, c=c, idx_v=idx_v, out_v=out_v):
                qid = c * q_chunk + cq
                qv = plsc.load_gather(
                    q_v, [jnp.full((_LANES,), qid, dtype=jnp.int32)])
                for j in range(K // _LANES):
                    off = cq * K + j * _LANES
                    idxv = idx_v[pl.ds(off, _LANES)]
                    gv = plsc.load_gather(g_v, [idxv])
                    out_v[pl.ds(off, _LANES)] = (gv == qv).astype(jnp.float32)

            out_cps[c] = pltpu.async_copy(
                out_v, out_hbm.at[pl.ds(ebase(c), elems_per_chunk)],
                out_sems[b])

        for c in range(max(0, n_chunks - n_buf), n_chunks):
            out_cps[c].wait()

    return sc_kernel


def kernel(indices, q_pids, g_pids):
    Q, K = indices.shape
    (G,) = g_pids.shape
    sc_kernel = _build_sc_kernel(Q, K, G)
    out_flat = sc_kernel(indices.reshape(-1), q_pids, g_pids)
    return out_flat.reshape(Q, K)

# --- scband reference (transcript-rebuilt; emitter-appended) ---
"""Pipeline reference for scband-match-calculator-88751204204604 (READ-ONLY COPY).

The authoritative reference and input builder live on the scoring server;
editing this copy changes nothing except your own understanding.
"""

import jax, jax.numpy as jnp
import numpy as np

Q = 4096
G = 100000
K = 128
NUM_PIDS = 1501

def setup_inputs(seed: int = 0) -> dict:
    key = jax.random.key(seed)
    kq, kg, ki = jax.random.split(key, 3)
    q_pids = jax.random.randint(kq, (Q,), 0, NUM_PIDS, dtype=jnp.int32)
    g_pids = jax.random.randint(kg, (G,), 0, NUM_PIDS, dtype=jnp.int32)
    indices = jax.random.randint(ki, (Q, K), 0, G, dtype=jnp.int32)
    return {"indices": indices, "q_pids": q_pids, "g_pids": g_pids}

def reference(indices, q_pids, g_pids):
    # gather gallery pids at the retrieved indices: [Q, K]
    g_pids_selected = jnp.take(g_pids, indices, axis=0)
    # broadcast-compare against per-query pid: [Q, K] float matches
    matches = (g_pids_selected == q_pids[:, None]).astype(jnp.float32)
    return matches

if __name__ == "__main__":
    import jax
    _d = setup_inputs()
    print(jax.jit(kernel)(*tuple(_d.values())))

</pallas_src>

<mosaic_0001>
#map = affine_map<(d0, d1) -> (0)>
module attributes {stable_mosaic.version = 14 : i64} {
  func.func @sc_kernel(%arg0: i32, %arg1: i32, %arg2: memref<524288xi32, #tpu.memory_space<hbm>>, %arg3: memref<4096xi32, #tpu.memory_space<hbm>>, %arg4: memref<100000xi32, #tpu.memory_space<hbm>>, %arg5: memref<524288xf32, #tpu.memory_space<hbm>>, %arg6: memref<100000xi32, #tpu.memory_space<vmem_shared>>, %arg7: memref<100000xi32, #tpu.memory_space<vmem>>, %arg8: memref<128xi32, #tpu.memory_space<vmem>>, %arg9: memref<4096xi32, #tpu.memory_space<vmem>>, %arg10: memref<4096xi32, #tpu.memory_space<vmem>>, %arg11: memref<4096xi32, #tpu.memory_space<vmem>>, %arg12: memref<4096xi32, #tpu.memory_space<vmem>>, %arg13: memref<4096xf32, #tpu.memory_space<vmem>>, %arg14: memref<4096xf32, #tpu.memory_space<vmem>>, %arg15: memref<!tpu.dma_semaphore, #tpu.memory_space<semaphore_mem>>, %arg16: memref<!tpu.dma_semaphore, #tpu.memory_space<semaphore_mem>>, %arg17: memref<!tpu.dma_semaphore, #tpu.memory_space<semaphore_mem>>, %arg18: memref<!tpu.dma_semaphore, #tpu.memory_space<semaphore_mem>>, %arg19: memref<!tpu.dma_semaphore, #tpu.memory_space<semaphore_mem>>, %arg20: memref<!tpu.dma_semaphore, #tpu.memory_space<semaphore_mem>>, %arg21: memref<!tpu.dma_semaphore, #tpu.memory_space<semaphore_mem>>) attributes {dimension_semantics = [#tpu.dimension_semantics<core_parallel>, #tpu.dimension_semantics<subcore_parallel>], iteration_bounds = array<i64: 2, 16>, scalar_prefetch = 0 : i64, scratch_operands = 16 : i64, tpu.core_type = #tpu.core_type<sc_vector_subcore>, window_params = [{transform_indices = #map}, {transform_indices = #map}, {transform_indices = #map}, {transform_indices = #map}]} {
    %mul3A = arith.constant 2 : i32
    %mul3A_0 = arith.muli %arg1, %mul3A : i32
    %add3A = arith.addi %mul3A_0, %arg0 : i32
    %mul3A_1 = arith.constant 128 : i32
    %mul3A_2 = arith.muli %add3A, %mul3A_1 : i32
    %mul3A_3 = arith.constant 128 : i32
    %mul3A_4 = arith.muli %mul3A_2, %mul3A_3 : i32
    %add3A_5 = arith.constant 0 : i32
    %add3A_6 = arith.addi %mul3A_4, %add3A_5 : i32
    %dma_start3A = tpu.memref_slice %arg2[%add3A_6] : memref<524288xi32, #tpu.memory_space<hbm>> -> memref<4096xi32, #tpu.memory_space<hbm>>
    %dma_start3A_7 = tpu.memref_slice %arg2[%add3A_6] : memref<524288xi32, #tpu.memory_space<hbm>> -> memref<4096xi32, #tpu.memory_space<hbm>>
    tpu.enqueue_dma source(%dma_start3A_7 : memref<4096xi32, #tpu.memory_space<hbm>>) target(%arg9 : memref<4096xi32, #tpu.memory_space<vmem>>) target_semaphore(%arg16 : memref<!tpu.dma_semaphore, #tpu.memory_space<semaphore_mem>>)
    %mul3A_8 = arith.constant 128 : i32
    %mul3A_9 = arith.muli %mul3A_2, %mul3A_8 : i32
    %add3A_10 = arith.constant 4096 : i32
    %add3A_11 = arith.addi %mul3A_9, %add3A_10 : i32
    %dma_start3A_12 = tpu.memref_slice %arg2[%add3A_11] : memref<524288xi32, #tpu.memory_space<hbm>> -> memref<4096xi32, #tpu.memory_space<hbm>>
    %dma_start3A_13 = tpu.memref_slice %arg2[%add3A_11] : memref<524288xi32, #tpu.memory_space<hbm>> -> memref<4096xi32, #tpu.memory_space<hbm>>
    tpu.enqueue_dma source(%dma_start3A_13 : memref<4096xi32, #tpu.memory_space<hbm>>) target(%arg10 : memref<4096xi32, #tpu.memory_space<vmem>>) target_semaphore(%arg17 : memref<!tpu.dma_semaphore, #tpu.memory_space<semaphore_mem>>)
    %mul3A_14 = arith.constant 128 : i32
    %mul3A_15 = arith.muli %mul3A_2, %mul3A_14 : i32
    %add3A_16 = arith.constant 8192 : i32
    %add3A_17 = arith.addi %mul3A_15, %add3A_16 : i32
    %dma_start3A_18 = tpu.memref_slice %arg2[%add3A_17] : memref<524288xi32, #tpu.memory_space<hbm>> -> memref<4096xi32, #tpu.memory_space<hbm>>
    %dma_start3A_19 = tpu.memref_slice %arg2[%add3A_17] : memref<524288xi32, #tpu.memory_space<hbm>> -> memref<4096xi32, #tpu.memory_space<hbm>>
    tpu.enqueue_dma source(%dma_start3A_19 : memref<4096xi32, #tpu.memory_space<hbm>>) target(%arg11 : memref<4096xi32, #tpu.memory_space<vmem>>) target_semaphore(%arg18 : memref<!tpu.dma_semaphore, #tpu.memory_space<semaphore_mem>>)
    %mul3A_20 = arith.constant 128 : i32
    %mul3A_21 = arith.muli %mul3A_2, %mul3A_20 : i32
    %add3A_22 = arith.constant 12288 : i32
    %add3A_23 = arith.addi %mul3A_21, %add3A_22 : i32
    %dma_start3A_24 = tpu.memref_slice %arg2[%add3A_23] : memref<524288xi32, #tpu.memory_space<hbm>> -> memref<4096xi32, #tpu.memory_space<hbm>>
    %dma_start3A_25 = tpu.memref_slice %arg2[%add3A_23] : memref<524288xi32, #tpu.memory_space<hbm>> -> memref<4096xi32, #tpu.memory_space<hbm>>
    tpu.enqueue_dma source(%dma_start3A_25 : memref<4096xi32, #tpu.memory_space<hbm>>) target(%arg12 : memref<4096xi32, #tpu.memory_space<vmem>>) target_semaphore(%arg19 : memref<!tpu.dma_semaphore, #tpu.memory_space<semaphore_mem>>)
    %eq3A = arith.constant 0 : i32
    %eq3A_26 = arith.cmpi eq, %arg1, %eq3A : i32
    %convert_element_type3A = arith.extui %eq3A_26 : i1 to i32
    %cond3A = arith.constant 0 : i32
    %cond3A_27 = arith.cmpi ne, %convert_element_type3A, %cond3A : i32
    scf.if %cond3A_27 {
      "tpu.region"() ({
        %run_scoped3A = tpu.sem_alloc : memref<!tpu.dma_semaphore, #tpu.memory_space<semaphore_mem>>
        tpu.enqueue_dma source(%arg4 : memref<100000xi32, #tpu.memory_space<hbm>>) target(%arg6 : memref<100000xi32, #tpu.memory_space<vmem_shared>>) target_semaphore(%run_scoped3A : memref<!tpu.dma_semaphore, #tpu.memory_space<semaphore_mem>>)
        tpu.wait_dma2 semaphore(%run_scoped3A : memref<!tpu.dma_semaphore, #tpu.memory_space<semaphore_mem>>) src(%arg4 : memref<100000xi32, #tpu.memory_space<hbm>>) dst(%arg6 : memref<100000xi32, #tpu.memory_space<vmem_shared>>)
        tpu.yield
      }) : () -> ()
    } else {
    }
    "tpu.region"() ({
      %run_scoped3A = tpu.sem_alloc : memref<!tpu.dma_semaphore, #tpu.memory_space<semaphore_mem>>
      %dma_start3A_78 = tpu.memref_slice %arg3[%mul3A_2] : memref<4096xi32, #tpu.memory_space<hbm>> -> memref<128xi32, #tpu.memory_space<hbm>>
      %dma_start3A_79 = tpu.memref_slice %arg3[%mul3A_2] : memref<4096xi32, #tpu.memory_space<hbm>> -> memref<128xi32, #tpu.memory_space<hbm>>
      tpu.enqueue_dma source(%dma_start3A_79 : memref<128xi32, #tpu.memory_space<hbm>>) target(%arg8 : memref<128xi32, #tpu.memory_space<vmem>>) target_semaphore(%run_scoped3A : memref<!tpu.dma_semaphore, #tpu.memory_space<semaphore_mem>>)
      %dma_wait3A_80 = tpu.memref_slice %arg3[%mul3A_2] : memref<4096xi32, #tpu.memory_space<hbm>> -> memref<128xi32, #tpu.memory_space<hbm>>
      %dma_wait3A_81 = tpu.memref_slice %arg3[%mul3A_2] : memref<4096xi32, #tpu.memory_space<hbm>> -> memref<128xi32, #tpu.memory_space<hbm>>
      tpu.wait_dma2 semaphore(%run_scoped3A : memref<!tpu.dma_semaphore, #tpu.memory_space<semaphore_mem>>) src(%dma_wait3A_81 : memref<128xi32, #tpu.memory_space<hbm>>) dst(%arg8 : memref<128xi32, #tpu.memory_space<vmem>>)
      tpu.yield
    }) : () -> ()
    %barrier3A = arith.constant 0 : index
    tpu.barrier barrier_id(%barrier3A)
    tpu.enqueue_dma source(%arg6 : memref<100000xi32, #tpu.memory_space<vmem_shared>>) target(%arg7 : memref<100000xi32, #tpu.memory_space<vmem>>) target_semaphore(%arg15 : memref<!tpu.dma_semaphore, #tpu.memory_space<semaphore_mem>>)
    tpu.wait_dma2 semaphore(%arg15 : memref<!tpu.dma_semaphore, #tpu.memory_space<semaphore_mem>>) src(%arg6 : memref<100000xi32, #tpu.memory_space<vmem_shared>>) dst(%arg7 : memref<100000xi32, #tpu.memory_space<vmem>>)
    %dma_wait3A = tpu.memref_slice %arg2[%add3A_6] : memref<524288xi32, #tpu.memory_space<hbm>> -> memref<4096xi32, #tpu.memory_space<hbm>>
    %dma_wait3A_28 = tpu.memref_slice %arg2[%add3A_6] : memref<524288xi32, #tpu.memory_space<hbm>> -> memref<4096xi32, #tpu.memory_space<hbm>>
    tpu.wait_dma2 semaphore(%arg16 : memref<!tpu.dma_semaphore, #tpu.memory_space<semaphore_mem>>) src(%dma_wait3A_28 : memref<4096xi32, #tpu.memory_space<hbm>>) dst(%arg9 : memref<4096xi32, #tpu.memory_space<vmem>>)
    %parallel_loop3A = arith.constant 0 : i32
    %parallel_loop3A_29 = arith.constant 32 : i32
    %parallel_loop3A_30 = arith.constant 1 : i32
    scf.for %parallel_loop3A_78 = %parallel_loop3A to %parallel_loop3A_29 step %parallel_loop3A_30  : i32 {
      %parallel_loop3A_79 = arith.constant 0 : i32
      %parallel_loop3A_80 = arith.addi %parallel_loop3A_79, %parallel_loop3A_78 : i32
      %parallel_loop3A_81 = vector.broadcast %parallel_loop3A_80 : i32 to vector<16xi32>
      %parallel_loop3A_82 = tpu.vector_load_idx %arg8[%parallel_loop3A_81] : memref<128xi32, #tpu.memory_space<vmem>>[vector<16xi32>], vector<16xi32>,
      %parallel_loop3A_83 = arith.constant 128 : i32
      %parallel_loop3A_84 = arith.muli %parallel_loop3A_78, %parallel_loop3A_83 : i32
      %parallel_loop3A_85 = arith.constant 0 : i32
      %parallel_loop3A_86 = arith.addi %parallel_loop3A_84, %parallel_loop3A_85 : i32
      %parallel_loop3A_87 = arith.index_cast %parallel_loop3A_86 : i32 to index
      %parallel_loop3A_88 = tpu.vector_load %arg9[%parallel_loop3A_87] {strides = array<i32>} : memref<4096xi32, #tpu.memory_space<vmem>>, vector<16xi32>,
      %parallel_loop3A_89 = tpu.vector_load_idx %arg7[%parallel_loop3A_88] : memref<100000xi32, #tpu.memory_space<vmem>>[vector<16xi32>], vector<16xi32>,
      %parallel_loop3A_90 = arith.cmpi eq, %parallel_loop3A_89, %parallel_loop3A_82 : vector<16xi32>
      %parallel_loop3A_91 = arith.extui %parallel_loop3A_90 : vector<16xi1> to vector<16xi32>
      %parallel_loop3A_92 = arith.sitofp %parallel_loop3A_91 : vector<16xi32> to vector<16xf32>
      %parallel_loop3A_93 = arith.index_cast %parallel_loop3A_86 : i32 to index
      %parallel_loop3A_94 = tpu.vector_load %arg13[%parallel_loop3A_93] {strides = array<i32>} : memref<4096xf32, #tpu.memory_space<vmem>>, vector<16xf32>,
      tpu.vector_store %arg13[%parallel_loop3A_93], %parallel_loop3A_92 {strides = array<i32>} : memref<4096xf32, #tpu.memory_space<vmem>>, vector<16xf32>,
      %parallel_loop3A_95 = arith.constant 128 : i32
      %parallel_loop3A_96 = arith.muli %parallel_loop3A_78, %parallel_loop3A_95 : i32
      %parallel_loop3A_97 = arith.constant 16 : i32
      %parallel_loop3A_98 = arith.addi %parallel_loop3A_96, %parallel_loop3A_97 : i32
      %parallel_loop3A_99 = arith.index_cast %parallel_loop3A_98 : i32 to index
      %parallel_loop3A_100 = tpu.vector_load %arg9[%parallel_loop3A_99] {strides = array<i32>} : memref<4096xi32, #tpu.memory_space<vmem>>, vector<16xi32>,
      %parallel_loop3A_101 = tpu.vector_load_idx %arg7[%parallel_loop3A_100] : memref<100000xi32, #tpu.memory_space<vmem>>[vector<16xi32>], vector<16xi32>,
      %parallel_loop3A_102 = arith.cmpi eq, %parallel_loop3A_101, %parallel_loop3A_82 : vector<16xi32>
      %parallel_loop3A_103 = arith.extui %parallel_loop3A_102 : vector<16xi1> to vector<16xi32>
      %parallel_loop3A_104 = arith.sitofp %parallel_loop3A_103 : vector<16xi32> to vector<16xf32>
      %parallel_loop3A_105 = arith.index_cast %parallel_loop3A_98 : i32 to index
      %parallel_loop3A_106 = tpu.vector_load %arg13[%parallel_loop3A_105] {strides = array<i32>} : memref<4096xf32, #tpu.memory_space<vmem>>, vector<16xf32>,
      tpu.vector_store %arg13[%parallel_loop3A_105], %parallel_loop3A_104 {strides = array<i32>} : memref<4096xf32, #tpu.memory_space<vmem>>, vector<16xf32>,
      %parallel_loop3A_107 = arith.constant 128 : i32
      %parallel_loop3A_108 = arith.muli %parallel_loop3A_78, %parallel_loop3A_107 : i32
      %parallel_loop3A_109 = arith.constant 32 : i32
      %parallel_loop3A_110 = arith.addi %parallel_loop3A_108, %parallel_loop3A_109 : i32
      %parallel_loop3A_111 = arith.index_cast %parallel_loop3A_110 : i32 to index
      %parallel_loop3A_112 = tpu.vector_load %arg9[%parallel_loop3A_111] {strides = array<i32>} : memref<4096xi32, #tpu.memory_space<vmem>>, vector<16xi32>,
      %parallel_loop3A_113 = tpu.vector_load_idx %arg7[%parallel_loop3A_112] : memref<100000xi32, #tpu.memory_space<vmem>>[vector<16xi32>], vector<16xi32>,
      %parallel_loop3A_114 = arith.cmpi eq, %parallel_loop3A_113, %parallel_loop3A_82 : vector<16xi32>
      %parallel_loop3A_115 = arith.extui %parallel_loop3A_114 : vector<16xi1> to vector<16xi32>
      %parallel_loop3A_116 = arith.sitofp %parallel_loop3A_115 : vector<16xi32> to vector<16xf32>
      %parallel_loop3A_117 = arith.index_cast %parallel_loop3A_110 : i32 to index
      %parallel_loop3A_118 = tpu.vector_load %arg13[%parallel_loop3A_117] {strides = array<i32>} : memref<4096xf32, #tpu.memory_space<vmem>>, vector<16xf32>,
      tpu.vector_store %arg13[%parallel_loop3A_117], %parallel_loop3A_116 {strides = array<i32>} : memref<4096xf32, #tpu.memory_space<vmem>>, vector<16xf32>,
      %parallel_loop3A_119 = arith.constant 128 : i32
      %parallel_loop3A_120 = arith.muli %parallel_loop3A_78, %parallel_loop3A_119 : i32
      %parallel_loop3A_121 = arith.constant 48 : i32
      %parallel_loop3A_122 = arith.addi %parallel_loop3A_120, %parallel_loop3A_121 : i32
      %parallel_loop3A_123 = arith.index_cast %parallel_loop3A_122 : i32 to index
      %parallel_loop3A_124 = tpu.vector_load %arg9[%parallel_loop3A_123] {strides = array<i32>} : memref<4096xi32, #tpu.memory_space<vmem>>, vector<16xi32>,
      %parallel_loop3A_125 = tpu.vector_load_idx %arg7[%parallel_loop3A_124] : memref<100000xi32, #tpu.memory_space<vmem>>[vector<16xi32>], vector<16xi32>,
      %parallel_loop3A_126 = arith.cmpi eq, %parallel_loop3A_125, %parallel_loop3A_82 : vector<16xi32>
      %parallel_loop3A_127 = arith.extui %parallel_loop3A_126 : vector<16xi1> to vector<16xi32>
      %parallel_loop3A_128 = arith.sitofp %parallel_loop3A_127 : vector<16xi32> to vector<16xf32>
      %parallel_loop3A_129 = arith.index_cast %parallel_loop3A_122 : i32 to index
      %parallel_loop3A_130 = tpu.vector_load %arg13[%parallel_loop3A_129] {strides = array<i32>} : memref<4096xf32, #tpu.memory_space<vmem>>, vector<16xf32>,
      tpu.vector_store %arg13[%parallel_loop3A_129], %parallel_loop3A_128 {strides = array<i32>} : memref<4096xf32, #tpu.memory_space<vmem>>, vector<16xf32>,
      %parallel_loop3A_131 = arith.constant 128 : i32
      %parallel_loop3A_132 = arith.muli %parallel_loop3A_78, %parallel_loop3A_131 : i32
      %parallel_loop3A_133 = arith.constant 64 : i32
      %parallel_loop3A_134 = arith.addi %parallel_loop3A_132, %parallel_loop3A_133 : i32
      %parallel_loop3A_135 = arith.index_cast %parallel_loop3A_134 : i32 to index
      %parallel_loop3A_136 = tpu.vector_load %arg9[%parallel_loop3A_135] {strides = array<i32>} : memref<4096xi32, #tpu.memory_space<vmem>>, vector<16xi32>,
      %parallel_loop3A_137 = tpu.vector_load_idx %arg7[%parallel_loop3A_136] : memref<100000xi32, #tpu.memory_space<vmem>>[vector<16xi32>], vector<16xi32>,
      %parallel_loop3A_138 = arith.cmpi eq, %parallel_loop3A_137, %parallel_loop3A_82 : vector<16xi32>
      %parallel_loop3A_139 = arith.extui %parallel_loop3A_138 : vector<16xi1> to vector<16xi32>
      %parallel_loop3A_140 = arith.sitofp %parallel_loop3A_139 : vector<16xi32> to vector<16xf32>
      %parallel_loop3A_141 = arith.index_cast %parallel_loop3A_134 : i32 to index
      %parallel_loop3A_142 = tpu.vector_load %arg13[%parallel_loop3A_141] {strides = array<i32>} : memref<4096xf32, #tpu.memory_space<vmem>>, vector<16xf32>,
      tpu.vector_store %arg13[%parallel_loop3A_141], %parallel_loop3A_140 {strides = array<i32>} : memref<4096xf32, #tpu.memory_space<vmem>>, vector<16xf32>,
      %parallel_loop3A_143 = arith.constant 128 : i32
      %parallel_loop3A_144 = arith.muli %parallel_loop3A_78, %parallel_loop3A_143 : i32
      %parallel_loop3A_145 = arith.constant 80 : i32
      %parallel_loop3A_146 = arith.addi %parallel_loop3A_144, %parallel_loop3A_145 : i32
      %parallel_loop3A_147 = arith.index_cast %parallel_loop3A_146 : i32 to index
      %parallel_loop3A_148 = tpu.vector_load %arg9[%parallel_loop3A_147] {strides = array<i32>} : memref<4096xi32, #tpu.memory_space<vmem>>, vector<16xi32>,
      %parallel_loop3A_149 = tpu.vector_load_idx %arg7[%parallel_loop3A_148] : memref<100000xi32, #tpu.memory_space<vmem>>[vector<16xi32>], vector<16xi32>,
      %parallel_loop3A_150 = arith.cmpi eq, %parallel_loop3A_149, %parallel_loop3A_82 : vector<16xi32>
      %parallel_loop3A_151 = arith.extui %parallel_loop3A_150 : vector<16xi1> to vector<16xi32>
      %parallel_loop3A_152 = arith.sitofp %parallel_loop3A_151 : vector<16xi32> to vector<16xf32>
      %parallel_loop3A_153 = arith.index_cast %parallel_loop3A_146 : i32 to index
      %parallel_loop3A_154 = tpu.vector_load %arg13[%parallel_loop3A_153] {strides = array<i32>} : memref<4096xf32, #tpu.memory_space<vmem>>, vector<16xf32>,
      tpu.vector_store %arg13[%parallel_loop3A_153], %parallel_loop3A_152 {strides = array<i32>} : memref<4096xf32, #tpu.memory_space<vmem>>, vector<16xf32>,
      %parallel_loop3A_155 = arith.constant 128 : i32
      %parallel_loop3A_156 = arith.muli %parallel_loop3A_78, %parallel_loop3A_155 : i32
      %parallel_loop3A_157 = arith.constant 96 : i32
      %parallel_loop3A_158 = arith.addi %parallel_loop3A_156, %parallel_loop3A_157 : i32
      %parallel_loop3A_159 = arith.index_cast %parallel_loop3A_158 : i32 to index
      %parallel_loop3A_160 = tpu.vector_load %arg9[%parallel_loop3A_159] {strides = array<i32>} : memref<4096xi32, #tpu.memory_space<vmem>>, vector<16xi32>,
      %parallel_loop3A_161 = tpu.vector_load_idx %arg7[%parallel_loop3A_160] : memref<100000xi32, #tpu.memory_space<vmem>>[vector<16xi32>], vector<16xi32>,
      %parallel_loop3A_162 = arith.cmpi eq, %parallel_loop3A_161, %parallel_loop3A_82 : vector<16xi32>
      %parallel_loop3A_163 = arith.extui %parallel_loop3A_162 : vector<16xi1> to vector<16xi32>
      %parallel_loop3A_164 = arith.sitofp %parallel_loop3A_163 : vector<16xi32> to vector<16xf32>
      %parallel_loop3A_165 = arith.index_cast %parallel_loop3A_158 : i32 to index
      %parallel_loop3A_166 = tpu.vector_load %arg13[%parallel_loop3A_165] {strides = array<i32>} : memref<4096xf32, #tpu.memory_space<vmem>>, vector<16xf32>,
      tpu.vector_store %arg13[%parallel_loop3A_165], %parallel_loop3A_164 {strides = array<i32>} : memref<4096xf32, #tpu.memory_space<vmem>>, vector<16xf32>,
      %parallel_loop3A_167 = arith.constant 128 : i32
      %parallel_loop3A_168 = arith.muli %parallel_loop3A_78, %parallel_loop3A_167 : i32
      %parallel_loop3A_169 = arith.constant 112 : i32
      %parallel_loop3A_170 = arith.addi %parallel_loop3A_168, %parallel_loop3A_169 : i32
      %parallel_loop3A_171 = arith.index_cast %parallel_loop3A_170 : i32 to index
      %parallel_loop3A_172 = tpu.vector_load %arg9[%parallel_loop3A_171] {strides = array<i32>} : memref<4096xi32, #tpu.memory_space<vmem>>, vector<16xi32>,
      %parallel_loop3A_173 = tpu.vector_load_idx %arg7[%parallel_loop3A_172] : memref<100000xi32, #tpu.memory_space<vmem>>[vector<16xi32>], vector<16xi32>,
      %parallel_loop3A_174 = arith.cmpi eq, %parallel_loop3A_173, %parallel_loop3A_82 : vector<16xi32>
      %parallel_loop3A_175 = arith.extui %parallel_loop3A_174 : vector<16xi1> to vector<16xi32>
      %parallel_loop3A_176 = arith.sitofp %parallel_loop3A_175 : vector<16xi32> to vector<16xf32>
      %parallel_loop3A_177 = arith.index_cast %parallel_loop3A_170 : i32 to index
      %parallel_loop3A_178 = tpu.vector_load %arg13[%parallel_loop3A_177] {strides = array<i32>} : memref<4096xf32, #tpu.memory_space<vmem>>, vector<16xf32>,
      tpu.vector_store %arg13[%parallel_loop3A_177], %parallel_loop3A_176 {strides = array<i32>} : memref<4096xf32, #tpu.memory_space<vmem>>, vector<16xf32>,
    } {sc.loop_unroll_factor = 2 : i64, sc.parallel_access}
    %mul3A_31 = arith.constant 128 : i32
    %mul3A_32 = arith.muli %mul3A_2, %mul3A_31 : i32
    %add3A_33 = arith.constant 0 : i32
    %add3A_34 = arith.addi %mul3A_32, %add3A_33 : i32
    %dma_start3A_35 = tpu.memref_slice %arg5[%add3A_34] : memref<524288xf32, #tpu.memory_space<hbm>> -> memref<4096xf32, #tpu.memory_space<hbm>>
    %dma_start3A_36 = tpu.memref_slice %arg5[%add3A_34] : memref<524288xf32, #tpu.memory_space<hbm>> -> memref<4096xf32, #tpu.memory_space<hbm>>
    tpu.enqueue_dma source(%arg13 : memref<4096xf32, #tpu.memory_space<vmem>>) target(%dma_start3A_36 : memref<4096xf32, #tpu.memory_space<hbm>>) target_semaphore(%arg20 : memref<!tpu.dma_semaphore, #tpu.memory_space<semaphore_mem>>)
    %dma_wait3A_37 = tpu.memref_slice %arg2[%add3A_11] : memref<524288xi32, #tpu.memory_space<hbm>> -> memref<4096xi32, #tpu.memory_space<hbm>>
    %dma_wait3A_38 = tpu.memref_slice %arg2[%add3A_11] : memref<524288xi32, #tpu.memory_space<hbm>> -> memref<4096xi32, #tpu.memory_space<hbm>>
    tpu.wait_dma2 semaphore(%arg17 : memref<!tpu.dma_semaphore, #tpu.memory_space<semaphore_mem>>) src(%dma_wait3A_38 : memref<4096xi32, #tpu.memory_space<hbm>>) dst(%arg10 : memref<4096xi32, #tpu.memory_space<vmem>>)
    %parallel_loop3A_39 = arith.constant 0 : i32
    %parallel_loop3A_40 = arith.constant 32 : i32
    %parallel_loop3A_41 = arith.constant 1 : i32
    scf.for %parallel_loop3A_78 = %parallel_loop3A_39 to %parallel_loop3A_40 step %parallel_loop3A_41  : i32 {
      %parallel_loop3A_79 = arith.constant 32 : i32
      %parallel_loop3A_80 = arith.addi %parallel_loop3A_79, %parallel_loop3A_78 : i32
      %parallel_loop3A_81 = vector.broadcast %parallel_loop3A_80 : i32 to vector<16xi32>
      %parallel_loop3A_82 = tpu.vector_load_idx %arg8[%parallel_loop3A_81] : memref<128xi32, #tpu.memory_space<vmem>>[vector<16xi32>], vector<16xi32>,
      %parallel_loop3A_83 = arith.constant 128 : i32
      %parallel_loop3A_84 = arith.muli %parallel_loop3A_78, %parallel_loop3A_83 : i32
      %parallel_loop3A_85 = arith.constant 0 : i32
      %parallel_loop3A_86 = arith.addi %parallel_loop3A_84, %parallel_loop3A_85 : i32
      %parallel_loop3A_87 = arith.index_cast %parallel_loop3A_86 : i32 to index
      %parallel_loop3A_88 = tpu.vector_load %arg10[%parallel_loop3A_87] {strides = array<i32>} : memref<4096xi32, #tpu.memory_space<vmem>>, vector<16xi32>,
      %parallel_loop3A_89 = tpu.vector_load_idx %arg7[%parallel_loop3A_88] : memref<100000xi32, #tpu.memory_space<vmem>>[vector<16xi32>], vector<16xi32>,
      %parallel_loop3A_90 = arith.cmpi eq, %parallel_loop3A_89, %parallel_loop3A_82 : vector<16xi32>
      %parallel_loop3A_91 = arith.extui %parallel_loop3A_90 : vector<16xi1> to vector<16xi32>
      %parallel_loop3A_92 = arith.sitofp %parallel_loop3A_91 : vector<16xi32> to vector<16xf32>
      %parallel_loop3A_93 = arith.index_cast %parallel_loop3A_86 : i32 to index
      %parallel_loop3A_94 = tpu.vector_load %arg14[%parallel_loop3A_93] {strides = array<i32>} : memref<4096xf32, #tpu.memory_space<vmem>>, vector<16xf32>,
      tpu.vector_store %arg14[%parallel_loop3A_93], %parallel_loop3A_92 {strides = array<i32>} : memref<4096xf32, #tpu.memory_space<vmem>>, vector<16xf32>,
      %parallel_loop3A_95 = arith.constant 128 : i32
      %parallel_loop3A_96 = arith.muli %parallel_loop3A_78, %parallel_loop3A_95 : i32
      %parallel_loop3A_97 = arith.constant 16 : i32
      %parallel_loop3A_98 = arith.addi %parallel_loop3A_96, %parallel_loop3A_97 : i32
      %parallel_loop3A_99 = arith.index_cast %parallel_loop3A_98 : i32 to index
      %parallel_loop3A_100 = tpu.vector_load %arg10[%parallel_loop3A_99] {strides = array<i32>} : memref<4096xi32, #tpu.memory_space<vmem>>, vector<16xi32>,
      %parallel_loop3A_101 = tpu.vector_load_idx %arg7[%parallel_loop3A_100] : memref<100000xi32, #tpu.memory_space<vmem>>[vector<16xi32>], vector<16xi32>,
      %parallel_loop3A_102 = arith.cmpi eq, %parallel_loop3A_101, %parallel_loop3A_82 : vector<16xi32>
      %parallel_loop3A_103 = arith.extui %parallel_loop3A_102 : vector<16xi1> to vector<16xi32>
      %parallel_loop3A_104 = arith.sitofp %parallel_loop3A_103 : vector<16xi32> to vector<16xf32>
      %parallel_loop3A_105 = arith.index_cast %parallel_loop3A_98 : i32 to index
      %parallel_loop3A_106 = tpu.vector_load %arg14[%parallel_loop3A_105] {strides = array<i32>} : memref<4096xf32, #tpu.memory_space<vmem>>, vector<16xf32>,
      tpu.vector_store %arg14[%parallel_loop3A_105], %parallel_loop3A_104 {strides = array<i32>} : memref<4096xf32, #tpu.memory_space<vmem>>, vector<16xf32>,
      %parallel_loop3A_107 = arith.constant 128 : i32
      %parallel_loop3A_108 = arith.muli %parallel_loop3A_78, %parallel_loop3A_107 : i32
      %parallel_loop3A_109 = arith.constant 32 : i32
      %parallel_loop3A_110 = arith.addi %parallel_loop3A_108, %parallel_loop3A_109 : i32
      %parallel_loop3A_111 = arith.index_cast %parallel_loop3A_110 : i32 to index
      %parallel_loop3A_112 = tpu.vector_load %arg10[%parallel_loop3A_111] {strides = array<i32>} : memref<4096xi32, #tpu.memory_space<vmem>>, vector<16xi32>,
      %parallel_loop3A_113 = tpu.vector_load_idx %arg7[%parallel_loop3A_112] : memref<100000xi32, #tpu.memory_space<vmem>>[vector<16xi32>], vector<16xi32>,
      %parallel_loop3A_114 = arith.cmpi eq, %parallel_loop3A_113, %parallel_loop3A_82 : vector<16xi32>
      %parallel_loop3A_115 = arith.extui %parallel_loop3A_114 : vector<16xi1> to vector<16xi32>
      %parallel_loop3A_116 = arith.sitofp %parallel_loop3A_115 : vector<16xi32> to vector<16xf32>
      %parallel_loop3A_117 = arith.index_cast %parallel_loop3A_110 : i32 to index
      %parallel_loop3A_118 = tpu.vector_load %arg14[%parallel_loop3A_117] {strides = array<i32>} : memref<4096xf32, #tpu.memory_space<vmem>>, vector<16xf32>,
      tpu.vector_store %arg14[%parallel_loop3A_117], %parallel_loop3A_116 {strides = array<i32>} : memref<4096xf32, #tpu.memory_space<vmem>>, vector<16xf32>,
      %parallel_loop3A_119 = arith.constant 128 : i32
      %parallel_loop3A_120 = arith.muli %parallel_loop3A_78, %parallel_loop3A_119 : i32
      %parallel_loop3A_121 = arith.constant 48 : i32
      %parallel_loop3A_122 = arith.addi %parallel_loop3A_120, %parallel_loop3A_121 : i32
      %parallel_loop3A_123 = arith.index_cast %parallel_loop3A_122 : i32 to index
      %parallel_loop3A_124 = tpu.vector_load %arg10[%parallel_loop3A_123] {strides = array<i32>} : memref<4096xi32, #tpu.memory_space<vmem>>, vector<16xi32>,
      %parallel_loop3A_125 = tpu.vector_load_idx %arg7[%parallel_loop3A_124] : memref<100000xi32, #tpu.memory_space<vmem>>[vector<16xi32>], vector<16xi32>,
      %parallel_loop3A_126 = arith.cmpi eq, %parallel_loop3A_125, %parallel_loop3A_82 : vector<16xi32>
      %parallel_loop3A_127 = arith.extui %parallel_loop3A_126 : vector<16xi1> to vector<16xi32>
      %parallel_loop3A_128 = arith.sitofp %parallel_loop3A_127 : vector<16xi32> to vector<16xf32>
      %parallel_loop3A_129 = arith.index_cast %parallel_loop3A_122 : i32 to index
      %parallel_loop3A_130 = tpu.vector_load %arg14[%parallel_loop3A_129] {strides = array<i32>} : memref<4096xf32, #tpu.memory_space<vmem>>, vector<16xf32>,
      tpu.vector_store %arg14[%parallel_loop3A_129], %parallel_loop3A_128 {strides = array<i32>} : memref<4096xf32, #tpu.memory_space<vmem>>, vector<16xf32>,
      %parallel_loop3A_131 = arith.constant 128 : i32
      %parallel_loop3A_132 = arith.muli %parallel_loop3A_78, %parallel_loop3A_131 : i32
      %parallel_loop3A_133 = arith.constant 64 : i32
      %parallel_loop3A_134 = arith.addi %parallel_loop3A_132, %parallel_loop3A_133 : i32
      %parallel_loop3A_135 = arith.index_cast %parallel_loop3A_134 : i32 to index
      %parallel_loop3A_136 = tpu.vector_load %arg10[%parallel_loop3A_135] {strides = array<i32>} : memref<4096xi32, #tpu.memory_space<vmem>>, vector<16xi32>,
      %parallel_loop3A_137 = tpu.vector_load_idx %arg7[%parallel_loop3A_136] : memref<100000xi32, #tpu.memory_space<vmem>>[vector<16xi32>], vector<16xi32>,
      %parallel_loop3A_138 = arith.cmpi eq, %parallel_loop3A_137, %parallel_loop3A_82 : vector<16xi32>
      %parallel_loop3A_139 = arith.extui %parallel_loop3A_138 : vector<16xi1> to vector<16xi32>
      %parallel_loop3A_140 = arith.sitofp %parallel_loop3A_139 : vector<16xi32> to vector<16xf32>
      %parallel_loop3A_141 = arith.index_cast %parallel_loop3A_134 : i32 to index
      %parallel_loop3A_142 = tpu.vector_load %arg14[%parallel_loop3A_141] {strides = array<i32>} : memref<4096xf32, #tpu.memory_space<vmem>>, vector<16xf32>,
      tpu.vector_store %arg14[%parallel_loop3A_141], %parallel_loop3A_140 {strides = array<i32>} : memref<4096xf32, #tpu.memory_space<vmem>>, vector<16xf32>,
      %parallel_loop3A_143 = arith.constant 128 : i32
      %parallel_loop3A_144 = arith.muli %parallel_loop3A_78, %parallel_loop3A_143 : i32
      %parallel_loop3A_145 = arith.constant 80 : i32
      %parallel_loop3A_146 = arith.addi %parallel_loop3A_144, %parallel_loop3A_145 : i32
      %parallel_loop3A_147 = arith.index_cast %parallel_loop3A_146 : i32 to index
      %parallel_loop3A_148 = tpu.vector_load %arg10[%parallel_loop3A_147] {strides = array<i32>} : memref<4096xi32, #tpu.memory_space<vmem>>, vector<16xi32>,
      %parallel_loop3A_149 = tpu.vector_load_idx %arg7[%parallel_loop3A_148] : memref<100000xi32, #tpu.memory_space<vmem>>[vector<16xi32>], vector<16xi32>,
      %parallel_loop3A_150 = arith.cmpi eq, %parallel_loop3A_149, %parallel_loop3A_82 : vector<16xi32>
      %parallel_loop3A_151 = arith.extui %parallel_loop3A_150 : vector<16xi1> to vector<16xi32>
      %parallel_loop3A_152 = arith.sitofp %parallel_loop3A_151 : vector<16xi32> to vector<16xf32>
      %parallel_loop3A_153 = arith.index_cast %parallel_loop3A_146 : i32 to index
      %parallel_loop3A_154 = tpu.vector_load %arg14[%parallel_loop3A_153] {strides = array<i32>} : memref<4096xf32, #tpu.memory_space<vmem>>, vector<16xf32>,
      tpu.vector_store %arg14[%parallel_loop3A_153], %parallel_loop3A_152 {strides = array<i32>} : memref<4096xf32, #tpu.memory_space<vmem>>, vector<16xf32>,
      %parallel_loop3A_155 = arith.constant 128 : i32
      %parallel_loop3A_156 = arith.muli %parallel_loop3A_78, %parallel_loop3A_155 : i32
      %parallel_loop3A_157 = arith.constant 96 : i32
      %parallel_loop3A_158 = arith.addi %parallel_loop3A_156, %parallel_loop3A_157 : i32
      %parallel_loop3A_159 = arith.index_cast %parallel_loop3A_158 : i32 to index
      %parallel_loop3A_160 = tpu.vector_load %arg10[%parallel_loop3A_159] {strides = array<i32>} : memref<4096xi32, #tpu.memory_space<vmem>>, vector<16xi32>,
      %parallel_loop3A_161 = tpu.vector_load_idx %arg7[%parallel_loop3A_160] : memref<100000xi32, #tpu.memory_space<vmem>>[vector<16xi32>], vector<16xi32>,
      %parallel_loop3A_162 = arith.cmpi eq, %parallel_loop3A_161, %parallel_loop3A_82 : vector<16xi32>
      %parallel_loop3A_163 = arith.extui %parallel_loop3A_162 : vector<16xi1> to vector<16xi32>
      %parallel_loop3A_164 = arith.sitofp %parallel_loop3A_163 : vector<16xi32> to vector<16xf32>
      %parallel_loop3A_165 = arith.index_cast %parallel_loop3A_158 : i32 to index
      %parallel_loop3A_166 = tpu.vector_load %arg14[%parallel_loop3A_165] {strides = array<i32>} : memref<4096xf32, #tpu.memory_space<vmem>>, vector<16xf32>,
      tpu.vector_store %arg14[%parallel_loop3A_165], %parallel_loop3A_164 {strides = array<i32>} : memref<4096xf32, #tpu.memory_space<vmem>>, vector<16xf32>,
      %parallel_loop3A_167 = arith.constant 128 : i32
      %parallel_loop3A_168 = arith.muli %parallel_loop3A_78, %parallel_loop3A_167 : i32
      %parallel_loop3A_169 = arith.constant 112 : i32
      %parallel_loop3A_170 = arith.addi %parallel_loop3A_168, %parallel_loop3A_169 : i32
      %parallel_loop3A_171 = arith.index_cast %parallel_loop3A_170 : i32 to index
      %parallel_loop3A_172 = tpu.vector_load %arg10[%parallel_loop3A_171] {strides = array<i32>} : memref<4096xi32, #tpu.memory_space<vmem>>, vector<16xi32>,
      %parallel_loop3A_173 = tpu.vector_load_idx %arg7[%parallel_loop3A_172] : memref<100000xi32, #tpu.memory_space<vmem>>[vector<16xi32>], vector<16xi32>,
      %parallel_loop3A_174 = arith.cmpi eq, %parallel_loop3A_173, %parallel_loop3A_82 : vector<16xi32>
      %parallel_loop3A_175 = arith.extui %parallel_loop3A_174 : vector<16xi1> to vector<16xi32>
      %parallel_loop3A_176 = arith.sitofp %parallel_loop3A_175 : vector<16xi32> to vector<16xf32>
      %parallel_loop3A_177 = arith.index_cast %parallel_loop3A_170 : i32 to index
      %parallel_loop3A_178 = tpu.vector_load %arg14[%parallel_loop3A_177] {strides = array<i32>} : memref<4096xf32, #tpu.memory_space<vmem>>, vector<16xf32>,
      tpu.vector_store %arg14[%parallel_loop3A_177], %parallel_loop3A_176 {strides = array<i32>} : memref<4096xf32, #tpu.memory_space<vmem>>, vector<16xf32>,
    } {sc.loop_unroll_factor = 2 : i64, sc.parallel_access}
    %mul3A_42 = arith.constant 128 : i32
    %mul3A_43 = arith.muli %mul3A_2, %mul3A_42 : i32
    %add3A_44 = arith.constant 4096 : i32
    %add3A_45 = arith.addi %mul3A_43, %add3A_44 : i32
    %dma_start3A_46 = tpu.memref_slice %arg5[%add3A_45] : memref<524288xf32, #tpu.memory_space<hbm>> -> memref<4096xf32, #tpu.memory_space<hbm>>
    %dma_start3A_47 = tpu.memref_slice %arg5[%add3A_45] : memref<524288xf32, #tpu.memory_space<hbm>> -> memref<4096xf32, #tpu.memory_space<hbm>>
    tpu.enqueue_dma source(%arg14 : memref<4096xf32, #tpu.memory_space<vmem>>) target(%dma_start3A_47 : memref<4096xf32, #tpu.memory_space<hbm>>) target_semaphore(%arg21 : memref<!tpu.dma_semaphore, #tpu.memory_space<semaphore_mem>>)
    %dma_wait3A_48 = tpu.memref_slice %arg2[%add3A_17] : memref<524288xi32, #tpu.memory_space<hbm>> -> memref<4096xi32, #tpu.memory_space<hbm>>
    %dma_wait3A_49 = tpu.memref_slice %arg2[%add3A_17] : memref<524288xi32, #tpu.memory_space<hbm>> -> memref<4096xi32, #tpu.memory_space<hbm>>
    tpu.wait_dma2 semaphore(%arg18 : memref<!tpu.dma_semaphore, #tpu.memory_space<semaphore_mem>>) src(%dma_wait3A_49 : memref<4096xi32, #tpu.memory_space<hbm>>) dst(%arg11 : memref<4096xi32, #tpu.memory_space<vmem>>)
    %dma_wait3A_50 = tpu.memref_slice %arg5[%add3A_34] : memref<524288xf32, #tpu.memory_space<hbm>> -> memref<4096xf32, #tpu.memory_space<hbm>>
    %dma_wait3A_51 = tpu.memref_slice %arg5[%add3A_34] : memref<524288xf32, #tpu.memory_space<hbm>> -> memref<4096xf32, #tpu.memory_space<hbm>>
    tpu.wait_dma2 semaphore(%arg20 : memref<!tpu.dma_semaphore, #tpu.memory_space<semaphore_mem>>) src(%arg13 : memref<4096xf32, #tpu.memory_space<vmem>>) dst(%dma_wait3A_51 : memref<4096xf32, #tpu.memory_space<hbm>>)
    %parallel_loop3A_52 = arith.constant 0 : i32
    %parallel_loop3A_53 = arith.constant 32 : i32
    %parallel_loop3A_54 = arith.constant 1 : i32
    scf.for %parallel_loop3A_78 = %parallel_loop3A_52 to %parallel_loop3A_53 step %parallel_loop3A_54  : i32 {
      %parallel_loop3A_79 = arith.constant 64 : i32
      %parallel_loop3A_80 = arith.addi %parallel_loop3A_79, %parallel_loop3A_78 : i32
      %parallel_loop3A_81 = vector.broadcast %parallel_loop3A_80 : i32 to vector<16xi32>
      %parallel_loop3A_82 = tpu.vector_load_idx %arg8[%parallel_loop3A_81] : memref<128xi32, #tpu.memory_space<vmem>>[vector<16xi32>], vector<16xi32>,
      %parallel_loop3A_83 = arith.constant 128 : i32
      %parallel_loop3A_84 = arith.muli %parallel_loop3A_78, %parallel_loop3A_83 : i32
      %parallel_loop3A_85 = arith.constant 0 : i32
      %parallel_loop3A_86 = arith.addi %parallel_loop3A_84, %parallel_loop3A_85 : i32
      %parallel_loop3A_87 = arith.index_cast %parallel_loop3A_86 : i32 to index
      %parallel_loop3A_88 = tpu.vector_load %arg11[%parallel_loop3A_87] {strides = array<i32>} : memref<4096xi32, #tpu.memory_space<vmem>>, vector<16xi32>,
      %parallel_loop3A_89 = tpu.vector_load_idx %arg7[%parallel_loop3A_88] : memref<100000xi32, #tpu.memory_space<vmem>>[vector<16xi32>], vector<16xi32>,
      %parallel_loop3A_90 = arith.cmpi eq, %parallel_loop3A_89, %parallel_loop3A_82 : vector<16xi32>
      %parallel_loop3A_91 = arith.extui %parallel_loop3A_90 : vector<16xi1> to vector<16xi32>
      %parallel_loop3A_92 = arith.sitofp %parallel_loop3A_91 : vector<16xi32> to vector<16xf32>
      %parallel_loop3A_93 = arith.index_cast %parallel_loop3A_86 : i32 to index
      %parallel_loop3A_94 = tpu.vector_load %arg13[%parallel_loop3A_93] {strides = array<i32>} : memref<4096xf32, #tpu.memory_space<vmem>>, vector<16xf32>,
      tpu.vector_store %arg13[%parallel_loop3A_93], %parallel_loop3A_92 {strides = array<i32>} : memref<4096xf32, #tpu.memory_space<vmem>>, vector<16xf32>,
      %parallel_loop3A_95 = arith.constant 128 : i32
      %parallel_loop3A_96 = arith.muli %parallel_loop3A_78, %parallel_loop3A_95 : i32
      %parallel_loop3A_97 = arith.constant 16 : i32
      %parallel_loop3A_98 = arith.addi %parallel_loop3A_96, %parallel_loop3A_97 : i32
      %parallel_loop3A_99 = arith.index_cast %parallel_loop3A_98 : i32 to index
      %parallel_loop3A_100 = tpu.vector_load %arg11[%parallel_loop3A_99] {strides = array<i32>} : memref<4096xi32, #tpu.memory_space<vmem>>, vector<16xi32>,
      %parallel_loop3A_101 = tpu.vector_load_idx %arg7[%parallel_loop3A_100] : memref<100000xi32, #tpu.memory_space<vmem>>[vector<16xi32>], vector<16xi32>,
      %parallel_loop3A_102 = arith.cmpi eq, %parallel_loop3A_101, %parallel_loop3A_82 : vector<16xi32>
      %parallel_loop3A_103 = arith.extui %parallel_loop3A_102 : vector<16xi1> to vector<16xi32>
      %parallel_loop3A_104 = arith.sitofp %parallel_loop3A_103 : vector<16xi32> to vector<16xf32>
      %parallel_loop3A_105 = arith.index_cast %parallel_loop3A_98 : i32 to index
      %parallel_loop3A_106 = tpu.vector_load %arg13[%parallel_loop3A_105] {strides = array<i32>} : memref<4096xf32, #tpu.memory_space<vmem>>, vector<16xf32>,
      tpu.vector_store %arg13[%parallel_loop3A_105], %parallel_loop3A_104 {strides = array<i32>} : memref<4096xf32, #tpu.memory_space<vmem>>, vector<16xf32>,
      %parallel_loop3A_107 = arith.constant 128 : i32
      %parallel_loop3A_108 = arith.muli %parallel_loop3A_78, %parallel_loop3A_107 : i32
      %parallel_loop3A_109 = arith.constant 32 : i32
      %parallel_loop3A_110 = arith.addi %parallel_loop3A_108, %parallel_loop3A_109 : i32
      %parallel_loop3A_111 = arith.index_cast %parallel_loop3A_110 : i32 to index
      %parallel_loop3A_112 = tpu.vector_load %arg11[%parallel_loop3A_111] {strides = array<i32>} : memref<4096xi32, #tpu.memory_space<vmem>>, vector<16xi32>,
      %parallel_loop3A_113 = tpu.vector_load_idx %arg7[%parallel_loop3A_112] : memref<100000xi32, #tpu.memory_space<vmem>>[vector<16xi32>], vector<16xi32>,
      %parallel_loop3A_114 = arith.cmpi eq, %parallel_loop3A_113, %parallel_loop3A_82 : vector<16xi32>
      %parallel_loop3A_115 = arith.extui %parallel_loop3A_114 : vector<16xi1> to vector<16xi32>
      %parallel_loop3A_116 = arith.sitofp %parallel_loop3A_115 : vector<16xi32> to vector<16xf32>
      %parallel_loop3A_117 = arith.index_cast %parallel_loop3A_110 : i32 to index
      %parallel_loop3A_118 = tpu.vector_load %arg13[%parallel_loop3A_117] {strides = array<i32>} : memref<4096xf32, #tpu.memory_space<vmem>>, vector<16xf32>,
      tpu.vector_store %arg13[%parallel_loop3A_117], %parallel_loop3A_116 {strides = array<i32>} : memref<4096xf32, #tpu.memory_space<vmem>>, vector<16xf32>,
      %parallel_loop3A_119 = arith.constant 128 : i32
      %parallel_loop3A_120 = arith.muli %parallel_loop3A_78, %parallel_loop3A_119 : i32
      %parallel_loop3A_121 = arith.constant 48 : i32
      %parallel_loop3A_122 = arith.addi %parallel_loop3A_120, %parallel_loop3A_121 : i32
      %parallel_loop3A_123 = arith.index_cast %parallel_loop3A_122 : i32 to index
      %parallel_loop3A_124 = tpu.vector_load %arg11[%parallel_loop3A_123] {strides = array<i32>} : memref<4096xi32, #tpu.memory_space<vmem>>, vector<16xi32>,
      %parallel_loop3A_125 = tpu.vector_load_idx %arg7[%parallel_loop3A_124] : memref<100000xi32, #tpu.memory_space<vmem>>[vector<16xi32>], vector<16xi32>,
      %parallel_loop3A_126 = arith.cmpi eq, %parallel_loop3A_125, %parallel_loop3A_82 : vector<16xi32>
      %parallel_loop3A_127 = arith.extui %parallel_loop3A_126 : vector<16xi1> to vector<16xi32>
      %parallel_loop3A_128 = arith.sitofp %parallel_loop3A_127 : vector<16xi32> to vector<16xf32>
      %parallel_loop3A_129 = arith.index_cast %parallel_loop3A_122 : i32 to index
      %parallel_loop3A_130 = tpu.vector_load %arg13[%parallel_loop3A_129] {strides = array<i32>} : memref<4096xf32, #tpu.memory_space<vmem>>, vector<16xf32>,
      tpu.vector_store %arg13[%parallel_loop3A_129], %parallel_loop3A_128 {strides = array<i32>} : memref<4096xf32, #tpu.memory_space<vmem>>, vector<16xf32>,
      %parallel_loop3A_131 = arith.constant 128 : i32
      %parallel_loop3A_132 = arith.muli %parallel_loop3A_78, %parallel_loop3A_131 : i32
      %parallel_loop3A_133 = arith.constant 64 : i32
      %parallel_loop3A_134 = arith.addi %parallel_loop3A_132, %parallel_loop3A_133 : i32
      %parallel_loop3A_135 = arith.index_cast %parallel_loop3A_134 : i32 to index
      %parallel_loop3A_136 = tpu.vector_load %arg11[%parallel_loop3A_135] {strides = array<i32>} : memref<4096xi32, #tpu.memory_space<vmem>>, vector<16xi32>,
      %parallel_loop3A_137 = tpu.vector_load_idx %arg7[%parallel_loop3A_136] : memref<100000xi32, #tpu.memory_space<vmem>>[vector<16xi32>], vector<16xi32>,
      %parallel_loop3A_138 = arith.cmpi eq, %parallel_loop3A_137, %parallel_loop3A_82 : vector<16xi32>
      %parallel_loop3A_139 = arith.extui %parallel_loop3A_138 : vector<16xi1> to vector<16xi32>
      %parallel_loop3A_140 = arith.sitofp %parallel_loop3A_139 : vector<16xi32> to vector<16xf32>
      %parallel_loop3A_141 = arith.index_cast %parallel_loop3A_134 : i32 to index
      %parallel_loop3A_142 = tpu.vector_load %arg13[%parallel_loop3A_141] {strides = array<i32>} : memref<4096xf32, #tpu.memory_space<vmem>>, vector<16xf32>,
      tpu.vector_store %arg13[%parallel_loop3A_141], %parallel_loop3A_140 {strides = array<i32>} : memref<4096xf32, #tpu.memory_space<vmem>>, vector<16xf32>,
      %parallel_loop3A_143 = arith.constant 128 : i32
      %parallel_loop3A_144 = arith.muli %parallel_loop3A_78, %parallel_loop3A_143 : i32
      %parallel_loop3A_145 = arith.constant 80 : i32
      %parallel_loop3A_146 = arith.addi %parallel_loop3A_144, %parallel_loop3A_145 : i32
      %parallel_loop3A_147 = arith.index_cast %parallel_loop3A_146 : i32 to index
      %parallel_loop3A_148 = tpu.vector_load %arg11[%parallel_loop3A_147] {strides = array<i32>} : memref<4096xi32, #tpu.memory_space<vmem>>, vector<16xi32>,
      %parallel_loop3A_149 = tpu.vector_load_idx %arg7[%parallel_loop3A_148] : memref<100000xi32, #tpu.memory_space<vmem>>[vector<16xi32>], vector<16xi32>,
      %parallel_loop3A_150 = arith.cmpi eq, %parallel_loop3A_149, %parallel_loop3A_82 : vector<16xi32>
      %parallel_loop3A_151 = arith.extui %parallel_loop3A_150 : vector<16xi1> to vector<16xi32>
      %parallel_loop3A_152 = arith.sitofp %parallel_loop3A_151 : vector<16xi32> to vector<16xf32>
      %parallel_loop3A_153 = arith.index_cast %parallel_loop3A_146 : i32 to index
      %parallel_loop3A_154 = tpu.vector_load %arg13[%parallel_loop3A_153] {strides = array<i32>} : memref<4096xf32, #tpu.memory_space<vmem>>, vector<16xf32>,
      tpu.vector_store %arg13[%parallel_loop3A_153], %parallel_loop3A_152 {strides = array<i32>} : memref<4096xf32, #tpu.memory_space<vmem>>, vector<16xf32>,
      %parallel_loop3A_155 = arith.constant 128 : i32
      %parallel_loop3A_156 = arith.muli %parallel_loop3A_78, %parallel_loop3A_155 : i32
      %parallel_loop3A_157 = arith.constant 96 : i32
      %parallel_loop3A_158 = arith.addi %parallel_loop3A_156, %parallel_loop3A_157 : i32
      %parallel_loop3A_159 = arith.index_cast %parallel_loop3A_158 : i32 to index
      %parallel_loop3A_160 = tpu.vector_load %arg11[%parallel_loop3A_159] {strides = array<i32>} : memref<4096xi32, #tpu.memory_space<vmem>>, vector<16xi32>,
      %parallel_loop3A_161 = tpu.vector_load_idx %arg7[%parallel_loop3A_160] : memref<100000xi32, #tpu.memory_space<vmem>>[vector<16xi32>], vector<16xi32>,
      %parallel_loop3A_162 = arith.cmpi eq, %parallel_loop3A_161, %parallel_loop3A_82 : vector<16xi32>
      %parallel_loop3A_163 = arith.extui %parallel_loop3A_162 : vector<16xi1> to vector<16xi32>
      %parallel_loop3A_164 = arith.sitofp %parallel_loop3A_163 : vector<16xi32> to vector<16xf32>
      %parallel_loop3A_165 = arith.index_cast %parallel_loop3A_158 : i32 to index
      %parallel_loop3A_166 = tpu.vector_load %arg13[%parallel_loop3A_165] {strides = array<i32>} : memref<4096xf32, #tpu.memory_space<vmem>>, vector<16xf32>,
      tpu.vector_store %arg13[%parallel_loop3A_165], %parallel_loop3A_164 {strides = array<i32>} : memref<4096xf32, #tpu.memory_space<vmem>>, vector<16xf32>,
      %parallel_loop3A_167 = arith.constant 128 : i32
      %parallel_loop3A_168 = arith.muli %parallel_loop3A_78, %parallel_loop3A_167 : i32
      %parallel_loop3A_169 = arith.constant 112 : i32
      %parallel_loop3A_170 = arith.addi %parallel_loop3A_168, %parallel_loop3A_169 : i32
      %parallel_loop3A_171 = arith.index_cast %parallel_loop3A_170 : i32 to index
      %parallel_loop3A_172 = tpu.vector_load %arg11[%parallel_loop3A_171] {strides = array<i32>} : memref<4096xi32, #tpu.memory_space<vmem>>, vector<16xi32>,
      %parallel_loop3A_173 = tpu.vector_load_idx %arg7[%parallel_loop3A_172] : memref<100000xi32, #tpu.memory_space<vmem>>[vector<16xi32>], vector<16xi32>,
      %parallel_loop3A_174 = arith.cmpi eq, %parallel_loop3A_173, %parallel_loop3A_82 : vector<16xi32>
      %parallel_loop3A_175 = arith.extui %parallel_loop3A_174 : vector<16xi1> to vector<16xi32>
      %parallel_loop3A_176 = arith.sitofp %parallel_loop3A_175 : vector<16xi32> to vector<16xf32>
      %parallel_loop3A_177 = arith.index_cast %parallel_loop3A_170 : i32 to index
      %parallel_loop3A_178 = tpu.vector_load %arg13[%parallel_loop3A_177] {strides = array<i32>} : memref<4096xf32, #tpu.memory_space<vmem>>, vector<16xf32>,
      tpu.vector_store %arg13[%parallel_loop3A_177], %parallel_loop3A_176 {strides = array<i32>} : memref<4096xf32, #tpu.memory_space<vmem>>, vector<16xf32>,
    } {sc.loop_unroll_factor = 2 : i64, sc.parallel_access}
    %mul3A_55 = arith.constant 128 : i32
    %mul3A_56 = arith.muli %mul3A_2, %mul3A_55 : i32
    %add3A_57 = arith.constant 8192 : i32
    %add3A_58 = arith.addi %mul3A_56, %add3A_57 : i32
    %dma_start3A_59 = tpu.memref_slice %arg5[%add3A_58] : memref<524288xf32, #tpu.memory_space<hbm>> -> memref<4096xf32, #tpu.memory_space<hbm>>
    %dma_start3A_60 = tpu.memref_slice %arg5[%add3A_58] : memref<524288xf32, #tpu.memory_space<hbm>> -> memref<4096xf32, #tpu.memory_space<hbm>>
    tpu.enqueue_dma source(%arg13 : memref<4096xf32, #tpu.memory_space<vmem>>) target(%dma_start3A_60 : memref<4096xf32, #tpu.memory_space<hbm>>) target_semaphore(%arg20 : memref<!tpu.dma_semaphore, #tpu.memory_space<semaphore_mem>>)
    %dma_wait3A_61 = tpu.memref_slice %arg2[%add3A_23] : memref<524288xi32, #tpu.memory_space<hbm>> -> memref<4096xi32, #tpu.memory_space<hbm>>
    %dma_wait3A_62 = tpu.memref_slice %arg2[%add3A_23] : memref<524288xi32, #tpu.memory_space<hbm>> -> memref<4096xi32, #tpu.memory_space<hbm>>
    tpu.wait_dma2 semaphore(%arg19 : memref<!tpu.dma_semaphore, #tpu.memory_space<semaphore_mem>>) src(%dma_wait3A_62 : memref<4096xi32, #tpu.memory_space<hbm>>) dst(%arg12 : memref<4096xi32, #tpu.memory_space<vmem>>)
    %dma_wait3A_63 = tpu.memref_slice %arg5[%add3A_45] : memref<524288xf32, #tpu.memory_space<hbm>> -> memref<4096xf32, #tpu.memory_space<hbm>>
    %dma_wait3A_64 = tpu.memref_slice %arg5[%add3A_45] : memref<524288xf32, #tpu.memory_space<hbm>> -> memref<4096xf32, #tpu.memory_space<hbm>>
    tpu.wait_dma2 semaphore(%arg21 : memref<!tpu.dma_semaphore, #tpu.memory_space<semaphore_mem>>) src(%arg14 : memref<4096xf32, #tpu.memory_space<vmem>>) dst(%dma_wait3A_64 : memref<4096xf32, #tpu.memory_space<hbm>>)
    %parallel_loop3A_65 = arith.constant 0 : i32
    %parallel_loop3A_66 = arith.constant 32 : i32
    %parallel_loop3A_67 = arith.constant 1 : i32
    scf.for %parallel_loop3A_78 = %parallel_loop3A_65 to %parallel_loop3A_66 step %parallel_loop3A_67  : i32 {
      %parallel_loop3A_79 = arith.constant 96 : i32
      %parallel_loop3A_80 = arith.addi %parallel_loop3A_79, %parallel_loop3A_78 : i32
      %parallel_loop3A_81 = vector.broadcast %parallel_loop3A_80 : i32 to vector<16xi32>
      %parallel_loop3A_82 = tpu.vector_load_idx %arg8[%parallel_loop3A_81] : memref<128xi32, #tpu.memory_space<vmem>>[vector<16xi32>], vector<16xi32>,
      %parallel_loop3A_83 = arith.constant 128 : i32
      %parallel_loop3A_84 = arith.muli %parallel_loop3A_78, %parallel_loop3A_83 : i32
      %parallel_loop3A_85 = arith.constant 0 : i32
      %parallel_loop3A_86 = arith.addi %parallel_loop3A_84, %parallel_loop3A_85 : i32
      %parallel_loop3A_87 = arith.index_cast %parallel_loop3A_86 : i32 to index
      %parallel_loop3A_88 = tpu.vector_load %arg12[%parallel_loop3A_87] {strides = array<i32>} : memref<4096xi32, #tpu.memory_space<vmem>>, vector<16xi32>,
      %parallel_loop3A_89 = tpu.vector_load_idx %arg7[%parallel_loop3A_88] : memref<100000xi32, #tpu.memory_space<vmem>>[vector<16xi32>], vector<16xi32>,
      %parallel_loop3A_90 = arith.cmpi eq, %parallel_loop3A_89, %parallel_loop3A_82 : vector<16xi32>
      %parallel_loop3A_91 = arith.extui %parallel_loop3A_90 : vector<16xi1> to vector<16xi32>
      %parallel_loop3A_92 = arith.sitofp %parallel_loop3A_91 : vector<16xi32> to vector<16xf32>
      %parallel_loop3A_93 = arith.index_cast %parallel_loop3A_86 : i32 to index
      %parallel_loop3A_94 = tpu.vector_load %arg14[%parallel_loop3A_93] {strides = array<i32>} : memref<4096xf32, #tpu.memory_space<vmem>>, vector<16xf32>,
      tpu.vector_store %arg14[%parallel_loop3A_93], %parallel_loop3A_92 {strides = array<i32>} : memref<4096xf32, #tpu.memory_space<vmem>>, vector<16xf32>,
      %parallel_loop3A_95 = arith.constant 128 : i32
      %parallel_loop3A_96 = arith.muli %parallel_loop3A_78, %parallel_loop3A_95 : i32
      %parallel_loop3A_97 = arith.constant 16 : i32
      %parallel_loop3A_98 = arith.addi %parallel_loop3A_96, %parallel_loop3A_97 : i32
      %parallel_loop3A_99 = arith.index_cast %parallel_loop3A_98 : i32 to index
      %parallel_loop3A_100 = tpu.vector_load %arg12[%parallel_loop3A_99] {strides = array<i32>} : memref<4096xi32, #tpu.memory_space<vmem>>, vector<16xi32>,
      %parallel_loop3A_101 = tpu.vector_load_idx %arg7[%parallel_loop3A_100] : memref<100000xi32, #tpu.memory_space<vmem>>[vector<16xi32>], vector<16xi32>,
      %parallel_loop3A_102 = arith.cmpi eq, %parallel_loop3A_101, %parallel_loop3A_82 : vector<16xi32>
      %parallel_loop3A_103 = arith.extui %parallel_loop3A_102 : vector<16xi1> to vector<16xi32>
      %parallel_loop3A_104 = arith.sitofp %parallel_loop3A_103 : vector<16xi32> to vector<16xf32>
      %parallel_loop3A_105 = arith.index_cast %parallel_loop3A_98 : i32 to index
      %parallel_loop3A_106 = tpu.vector_load %arg14[%parallel_loop3A_105] {strides = array<i32>} : memref<4096xf32, #tpu.memory_space<vmem>>, vector<16xf32>,
      tpu.vector_store %arg14[%parallel_loop3A_105], %parallel_loop3A_104 {strides = array<i32>} : memref<4096xf32, #tpu.memory_space<vmem>>, vector<16xf32>,
      %parallel_loop3A_107 = arith.constant 128 : i32
      %parallel_loop3A_108 = arith.muli %parallel_loop3A_78, %parallel_loop3A_107 : i32
      %parallel_loop3A_109 = arith.constant 32 : i32
      %parallel_loop3A_110 = arith.addi %parallel_loop3A_108, %parallel_loop3A_109 : i32
      %parallel_loop3A_111 = arith.index_cast %parallel_loop3A_110 : i32 to index
      %parallel_loop3A_112 = tpu.vector_load %arg12[%parallel_loop3A_111] {strides = array<i32>} : memref<4096xi32, #tpu.memory_space<vmem>>, vector<16xi32>,
      %parallel_loop3A_113 = tpu.vector_load_idx %arg7[%parallel_loop3A_112] : memref<100000xi32, #tpu.memory_space<vmem>>[vector<16xi32>], vector<16xi32>,
      %parallel_loop3A_114 = arith.cmpi eq, %parallel_loop3A_113, %parallel_loop3A_82 : vector<16xi32>
      %parallel_loop3A_115 = arith.extui %parallel_loop3A_114 : vector<16xi1> to vector<16xi32>
      %parallel_loop3A_116 = arith.sitofp %parallel_loop3A_115 : vector<16xi32> to vector<16xf32>
      %parallel_loop3A_117 = arith.index_cast %parallel_loop3A_110 : i32 to index
      %parallel_loop3A_118 = tpu.vector_load %arg14[%parallel_loop3A_117] {strides = array<i32>} : memref<4096xf32, #tpu.memory_space<vmem>>, vector<16xf32>,
      tpu.vector_store %arg14[%parallel_loop3A_117], %parallel_loop3A_116 {strides = array<i32>} : memref<4096xf32, #tpu.memory_space<vmem>>, vector<16xf32>,
      %parallel_loop3A_119 = arith.constant 128 : i32
      %parallel_loop3A_120 = arith.muli %parallel_loop3A_78, %parallel_loop3A_119 : i32
      %parallel_loop3A_121 = arith.constant 48 : i32
      %parallel_loop3A_122 = arith.addi %parallel_loop3A_120, %parallel_loop3A_121 : i32
      %parallel_loop3A_123 = arith.index_cast %parallel_loop3A_122 : i32 to index
      %parallel_loop3A_124 = tpu.vector_load %arg12[%parallel_loop3A_123] {strides = array<i32>} : memref<4096xi32, #tpu.memory_space<vmem>>, vector<16xi32>,
      %parallel_loop3A_125 = tpu.vector_load_idx %arg7[%parallel_loop3A_124] : memref<100000xi32, #tpu.memory_space<vmem>>[vector<16xi32>], vector<16xi32>,
      %parallel_loop3A_126 = arith.cmpi eq, %parallel_loop3A_125, %parallel_loop3A_82 : vector<16xi32>
      %parallel_loop3A_127 = arith.extui %parallel_loop3A_126 : vector<16xi1> to vector<16xi32>
      %parallel_loop3A_128 = arith.sitofp %parallel_loop3A_127 : vector<16xi32> to vector<16xf32>
      %parallel_loop3A_129 = arith.index_cast %parallel_loop3A_122 : i32 to index
      %parallel_loop3A_130 = tpu.vector_load %arg14[%parallel_loop3A_129] {strides = array<i32>} : memref<4096xf32, #tpu.memory_space<vmem>>, vector<16xf32>,
      tpu.vector_store %arg14[%parallel_loop3A_129], %parallel_loop3A_128 {strides = array<i32>} : memref<4096xf32, #tpu.memory_space<vmem>>, vector<16xf32>,
      %parallel_loop3A_131 = arith.constant 128 : i32
      %parallel_loop3A_132 = arith.muli %parallel_loop3A_78, %parallel_loop3A_131 : i32
      %parallel_loop3A_133 = arith.constant 64 : i32
      %parallel_loop3A_134 = arith.addi %parallel_loop3A_132, %parallel_loop3A_133 : i32
      %parallel_loop3A_135 = arith.index_cast %parallel_loop3A_134 : i32 to index
      %parallel_loop3A_136 = tpu.vector_load %arg12[%parallel_loop3A_135] {strides = array<i32>} : memref<4096xi32, #tpu.memory_space<vmem>>, vector<16xi32>,
      %parallel_loop3A_137 = tpu.vector_load_idx %arg7[%parallel_loop3A_136] : memref<100000xi32, #tpu.memory_space<vmem>>[vector<16xi32>], vector<16xi32>,
      %parallel_loop3A_138 = arith.cmpi eq, %parallel_loop3A_137, %parallel_loop3A_82 : vector<16xi32>
      %parallel_loop3A_139 = arith.extui %parallel_loop3A_138 : vector<16xi1> to vector<16xi32>
      %parallel_loop3A_140 = arith.sitofp %parallel_loop3A_139 : vector<16xi32> to vector<16xf32>
      %parallel_loop3A_141 = arith.index_cast %parallel_loop3A_134 : i32 to index
      %parallel_loop3A_142 = tpu.vector_load %arg14[%parallel_loop3A_141] {strides = array<i32>} : memref<4096xf32, #tpu.memory_space<vmem>>, vector<16xf32>,
      tpu.vector_store %arg14[%parallel_loop3A_141], %parallel_loop3A_140 {strides = array<i32>} : memref<4096xf32, #tpu.memory_space<vmem>>, vector<16xf32>,
      %parallel_loop3A_143 = arith.constant 128 : i32
      %parallel_loop3A_144 = arith.muli %parallel_loop3A_78, %parallel_loop3A_143 : i32
      %parallel_loop3A_145 = arith.constant 80 : i32
      %parallel_loop3A_146 = arith.addi %parallel_loop3A_144, %parallel_loop3A_145 : i32
      %parallel_loop3A_147 = arith.index_cast %parallel_loop3A_146 : i32 to index
      %parallel_loop3A_148 = tpu.vector_load %arg12[%parallel_loop3A_147] {strides = array<i32>} : memref<4096xi32, #tpu.memory_space<vmem>>, vector<16xi32>,
      %parallel_loop3A_149 = tpu.vector_load_idx %arg7[%parallel_loop3A_148] : memref<100000xi32, #tpu.memory_space<vmem>>[vector<16xi32>], vector<16xi32>,
      %parallel_loop3A_150 = arith.cmpi eq, %parallel_loop3A_149, %parallel_loop3A_82 : vector<16xi32>
      %parallel_loop3A_151 = arith.extui %parallel_loop3A_150 : vector<16xi1> to vector<16xi32>
      %parallel_loop3A_152 = arith.sitofp %parallel_loop3A_151 : vector<16xi32> to vector<16xf32>
      %parallel_loop3A_153 = arith.index_cast %parallel_loop3A_146 : i32 to index
      %parallel_loop3A_154 = tpu.vector_load %arg14[%parallel_loop3A_153] {strides = array<i32>} : memref<4096xf32, #tpu.memory_space<vmem>>, vector<16xf32>,
      tpu.vector_store %arg14[%parallel_loop3A_153], %parallel_loop3A_152 {strides = array<i32>} : memref<4096xf32, #tpu.memory_space<vmem>>, vector<16xf32>,
      %parallel_loop3A_155 = arith.constant 128 : i32
      %parallel_loop3A_156 = arith.muli %parallel_loop3A_78, %parallel_loop3A_155 : i32
      %parallel_loop3A_157 = arith.constant 96 : i32
      %parallel_loop3A_158 = arith.addi %parallel_loop3A_156, %parallel_loop3A_157 : i32
      %parallel_loop3A_159 = arith.index_cast %parallel_loop3A_158 : i32 to index
      %parallel_loop3A_160 = tpu.vector_load %arg12[%parallel_loop3A_159] {strides = array<i32>} : memref<4096xi32, #tpu.memory_space<vmem>>, vector<16xi32>,
      %parallel_loop3A_161 = tpu.vector_load_idx %arg7[%parallel_loop3A_160] : memref<100000xi32, #tpu.memory_space<vmem>>[vector<16xi32>], vector<16xi32>,
      %parallel_loop3A_162 = arith.cmpi eq, %parallel_loop3A_161, %parallel_loop3A_82 : vector<16xi32>
      %parallel_loop3A_163 = arith.extui %parallel_loop3A_162 : vector<16xi1> to vector<16xi32>
      %parallel_loop3A_164 = arith.sitofp %parallel_loop3A_163 : vector<16xi32> to vector<16xf32>
      %parallel_loop3A_165 = arith.index_cast %parallel_loop3A_158 : i32 to index
      %parallel_loop3A_166 = tpu.vector_load %arg14[%parallel_loop3A_165] {strides = array<i32>} : memref<4096xf32, #tpu.memory_space<vmem>>, vector<16xf32>,
      tpu.vector_store %arg14[%parallel_loop3A_165], %parallel_loop3A_164 {strides = array<i32>} : memref<4096xf32, #tpu.memory_space<vmem>>, vector<16xf32>,
      %parallel_loop3A_167 = arith.constant 128 : i32
      %parallel_loop3A_168 = arith.muli %parallel_loop3A_78, %parallel_loop3A_167 : i32
      %parallel_loop3A_169 = arith.constant 112 : i32
      %parallel_loop3A_170 = arith.addi %parallel_loop3A_168, %parallel_loop3A_169 : i32
      %parallel_loop3A_171 = arith.index_cast %parallel_loop3A_170 : i32 to index
      %parallel_loop3A_172 = tpu.vector_load %arg12[%parallel_loop3A_171] {strides = array<i32>} : memref<4096xi32, #tpu.memory_space<vmem>>, vector<16xi32>,
      %parallel_loop3A_173 = tpu.vector_load_idx %arg7[%parallel_loop3A_172] : memref<100000xi32, #tpu.memory_space<vmem>>[vector<16xi32>], vector<16xi32>,
      %parallel_loop3A_174 = arith.cmpi eq, %parallel_loop3A_173, %parallel_loop3A_82 : vector<16xi32>
      %parallel_loop3A_175 = arith.extui %parallel_loop3A_174 : vector<16xi1> to vector<16xi32>
      %parallel_loop3A_176 = arith.sitofp %parallel_loop3A_175 : vector<16xi32> to vector<16xf32>
      %parallel_loop3A_177 = arith.index_cast %parallel_loop3A_170 : i32 to index
      %parallel_loop3A_178 = tpu.vector_load %arg14[%parallel_loop3A_177] {strides = array<i32>} : memref<4096xf32, #tpu.memory_space<vmem>>, vector<16xf32>,
      tpu.vector_store %arg14[%parallel_loop3A_177], %parallel_loop3A_176 {strides = array<i32>} : memref<4096xf32, #tpu.memory_space<vmem>>, vector<16xf32>,
    } {sc.loop_unroll_factor = 2 : i64, sc.parallel_access}
    %mul3A_68 = arith.constant 128 : i32
    %mul3A_69 = arith.muli %mul3A_2, %mul3A_68 : i32
    %add3A_70 = arith.constant 12288 : i32
    %add3A_71 = arith.addi %mul3A_69, %add3A_70 : i32
    %dma_start3A_72 = tpu.memref_slice %arg5[%add3A_71] : memref<524288xf32, #tpu.memory_space<hbm>> -> memref<4096xf32, #tpu.memory_space<hbm>>
    %dma_start3A_73 = tpu.memref_slice %arg5[%add3A_71] : memref<524288xf32, #tpu.memory_space<hbm>> -> memref<4096xf32, #tpu.memory_space<hbm>>
    tpu.enqueue_dma source(%arg14 : memref<4096xf32, #tpu.memory_space<vmem>>) target(%dma_start3A_73 : memref<4096xf32, #tpu.memory_space<hbm>>) target_semaphore(%arg21 : memref<!tpu.dma_semaphore, #tpu.memory_space<semaphore_mem>>)
    %dma_wait3A_74 = tpu.memref_slice %arg5[%add3A_58] : memref<524288xf32, #tpu.memory_space<hbm>> -> memref<4096xf32, #tpu.memory_space<hbm>>
    %dma_wait3A_75 = tpu.memref_slice %arg5[%add3A_58] : memref<524288xf32, #tpu.memory_space<hbm>> -> memref<4096xf32, #tpu.memory_space<hbm>>
    tpu.wait_dma2 semaphore(%arg20 : memref<!tpu.dma_semaphore, #tpu.memory_space<semaphore_mem>>) src(%arg13 : memref<4096xf32, #tpu.memory_space<vmem>>) dst(%dma_wait3A_75 : memref<4096xf32, #tpu.memory_space<hbm>>)
    %dma_wait3A_76 = tpu.memref_slice %arg5[%add3A_71] : memref<524288xf32, #tpu.memory_space<hbm>> -> memref<4096xf32, #tpu.memory_space<hbm>>
    %dma_wait3A_77 = tpu.memref_slice %arg5[%add3A_71] : memref<524288xf32, #tpu.memory_space<hbm>> -> memref<4096xf32, #tpu.memory_space<hbm>>
    tpu.wait_dma2 semaphore(%arg21 : memref<!tpu.dma_semaphore, #tpu.memory_space<semaphore_mem>>) src(%arg14 : memref<4096xf32, #tpu.memory_space<vmem>>) dst(%dma_wait3A_77 : memref<4096xf32, #tpu.memory_space<hbm>>)
    return
  }
}

</mosaic_0001>

<sc_bundles>
// kernel: kernel.3.cloned.1.call-start
scs
__scs_entry_jumppad:
0x0: {  	(pc) =	sbr.rel $0x88, $3  }
0x1: {  	(tag) =	ssettag $0x0;
	lr =	simm.s32 $0x1  }
0x2: {  	[smem:$0x3F9E] =	sst lr;
	_ =	strace $0xD0000000  }
0x3: {  	_ = 	snop  }
0x4: {  	_ = 	snop  }
0x5: {  	_ = 	snop  }
0x6: {  	_ = 	snop  }
0x7: {  	_ = 	snop  }
__scs_overlays_trampoline_lowered:
0x8: {  	[smem:$0x3FAD] =	sst s0  }
0x9: {  	[smem:$0x3FAE] =	sst s1  }
0xa: {  	[smem:$0x3FAF] =	sst s2  }
0xb: {  	[smem:$0x3FB0] =	sst s3  }
0xc: {  	[smem:$0x3FB1] =	sst s4  }
0xd: {  	[smem:$0x3FB2] =	sst s5  }
0xe: {  	[smem:$0x3FB3] =	sst s6  }
0xf: {  	[smem:$0x3FB4] =	sst s7  }
0x10: {  	[smem:$0x3FB5] =	sst s8  }
0x11: {  	[smem:$0x3FB6] =	sst s9;
	s0 =	simm.s32 @!p0 $0x0  }
0x12: {  	s1 =	sld [smem:$0x3F9C];
	s0 =	simm.s32 @p0 $0x1  }
0x13: {  	[smem:$0x3FB7] =	sst s0;
	s0 =	simm.s32 @!p1 $0x0  }
0x14: {  	s2 =	sld [smem:$0x3F9B];
	s0 =	simm.s32 @p1 $0x1  }
0x15: {  	[smem:$0x3FB8] =	sst s0;
	s0 =	simm.s32 @!p2 $0x0  }
0x16: {  	s3 =	sld [smem:$0x3FDB];
	s0 =	simm.s32 @p2 $0x1  }
0x17: {  	s4 =	simm.s32 $0x1BF5;
	[smem:$0x3FBA] =	sst s0  }
0x18: {  	s0 =	sld [smem:$0x3F9D];
	_ =	swait.ge [sflag:s4], $0x0  }
0x19: {  	s7 =	sld [smem:$0x3F9E]  }
0x1a: {  	s8 =	sadd.s32 $0xFFFFE003, lr  }
0x1b: {  	s9 =	sadd.s32 $0xFFFFFEF7, lr;
	s5 =	simm.s32 $0xFFFFFFFF;
	p2 =	slt.u32 s8, $0xFFFFF086  }
0x1c: {  	p1 =	slt.u32 s9, $0xF7A;
	s5 =	simm.s32 @!p2 $0x0  }
0x1d: {  	s5 =	simm.s32 @p1 $0x1;
	p0 =	seq.s32 s7, s2  }
0x1e: {  	s7 =	smul.u32 @!p0 $0xF7A, s2;
	p2 =	seq.s32 @!p0 s5, $0x0  }
0x1f: {  	s9 =	smul.u32 $0xF7A, s1;
	s8 =	simm.s32 @!p0 $0x1BF5;
	p2 =	por !p2, p0  }
0x20: {  	[sflag:s8] =	ssyncset.s32 @!p0 $0xFFFFF086;
	s6 =	sadd.s32 @!p0 s3, s7;
	s7 =	simm.s32 @!p0 $0x108  }
0x21: {  	s3 =	sadd.s32 s3, s9;
	s6 =	sadd.s32 @!p0 $0x88, s6;
	s7 =	simm.s32 @p2 $0x1082  }
0x22: {  	[simem:s7], [sflag:s8] =	dma.local @!p0 [hbm:s6], $0xF7A  }
0x23: {  	s9 =	sor.u32 $0xD0000000, s2;
	s6 =	simm.s32 $0x108;
	_ =	swait.ge @!p0 [sflag:s8], $0x0  }
0x24: {  	s3 =	sadd.s32 $0x88, s3;
	s6 =	simm.s32 @!p1 $0x1082;
	[sflag:s4] =	ssyncset.s32 $0xFFFFF086  }
0x25: {  	[simem:s6], [sflag:s4] =	dma.local [hbm:s3], $0xF7A  }
0x26: {  	[smem:$0x3F9E] =	sst s1;
	(tag) =	ssettag s2;
	_ =	strace s9  }
0x27: {  	s1 =	sld [smem:$0x3FAE]  }
0x28: {  	s2 =	sld [smem:$0x3FAF]  }
0x29: {  	s4 =	sld [smem:$0x3FB1]  }
0x2a: {  	p0 =	seq.s32 s5, $0x0;
	s5 =	sld [smem:$0x3FB2]  }
0x2b: {  	s6 =	sld [smem:$0x3FB3]  }
0x2c: {  	s7 =	sld [smem:$0x3FB4]  }
0x2d: {  	s3 =	simm.s32 $0x108;
	s8 =	sld [smem:$0x3FB5]  }
0x2e: {  	s3 =	simm.s32 @!p0 $0x1082;
	s9 =	sld [smem:$0x3FB6]  }
0x2f: {  	lr =	sadd.s32 s0, s3;
	s0 =	sld [smem:$0x3FAD]  }
0x30: {  	s3 =	sld [smem:$0x3FB0]  }
0x31: {  	[smem:$0x3FB9] =	sst s10  }
0x32: {  	s10 =	sld [smem:$0x3FB7];
	_ =	sdelay $0x3  }
0x33: {  	p0 =	seq.s32 s10, $0x1;
	s10 =	sld [smem:$0x3FB9];
	_ =	sdelay $0x3  }
0x34: {  	[smem:$0x3FB9] =	sst s10  }
0x35: {  	s10 =	sld [smem:$0x3FB8];
	_ =	sdelay $0x3  }
0x36: {  	p1 =	seq.s32 s10, $0x1;
	s10 =	sld [smem:$0x3FB9];
	_ =	sdelay $0x3  }
0x37: {  	[smem:$0x3FB9] =	sst s10  }
0x38: {  	s10 =	sld [smem:$0x3FBA]  }
0x39: {  	_ = 	snop;
	(pc) =	sbr.ind lr, $3  }
0x3a: {  	_ = 	snop  }
0x3b: {  	_ = 	snop  }
0x3c: {  	p2 =	seq.s32 s10, $0x1;
	s10 =	sld [smem:$0x3FB9]  }
0x3d: {  	_ =	shalt  }
0x3e: {  	_ =	shalt  }
0x3f: {  	_ =	shalt  }
0x40: {  	_ =	shalt  }
0x41: {  	_ =	shalt  }
0x42: {  	_ =	shalt  }
0x43: {  	_ =	shalt  }
0x44: {  	_ =	shalt  }
0x45: {  	_ =	shalt  }
0x46: {  	_ =	shalt  }
0x47: {  	_ =	shalt  }
0x48: {  	_ =	shalt  }
0x49: {  	_ =	shalt  }
0x4a: {  	_ =	shalt  }
0x4b: {  	_ =	shalt  }
0x4c: {  	_ =	shalt  }
0x4d: {  	_ =	shalt  }
0x4e: {  	_ =	shalt  }
0x4f: {  	_ =	shalt  }
0x50: {  	_ =	shalt  }
0x51: {  	_ =	shalt  }
0x52: {  	_ =	shalt  }
0x53: {  	_ =	shalt  }
0x54: {  	_ =	shalt  }
0x55: {  	_ =	shalt  }
0x56: {  	_ =	shalt  }
0x57: {  	_ =	shalt  }
0x58: {  	_ =	shalt  }
0x59: {  	_ =	shalt  }
0x5a: {  	_ =	shalt  }
0x5b: {  	_ =	shalt  }
0x5c: {  	_ =	shalt  }
0x5d: {  	_ =	shalt  }
0x5e: {  	_ =	shalt  }
0x5f: {  	_ =	shalt  }
0x60: {  	_ =	shalt  }
0x61: {  	_ =	shalt  }
0x62: {  	_ =	shalt  }
0x63: {  	_ =	shalt  }
0x64: {  	_ =	shalt  }
0x65: {  	_ =	shalt  }
0x66: {  	_ =	shalt  }
0x67: {  	_ =	shalt  }
0x68: {  	_ =	shalt  }
0x69: {  	_ =	shalt  }
0x6a: {  	_ =	shalt  }
0x6b: {  	_ =	shalt  }
0x6c: {  	_ =	shalt  }
0x6d: {  	_ =	shalt  }
0x6e: {  	_ =	shalt  }
0x6f: {  	_ =	shalt  }
0x70: {  	_ =	shalt  }
0x71: {  	_ =	shalt  }
0x72: {  	_ =	shalt  }
0x73: {  	_ =	shalt  }
0x74: {  	_ =	shalt  }
0x75: {  	_ =	shalt  }
0x76: {  	_ =	shalt  }
0x77: {  	_ =	shalt  }
0x78: {  	_ =	shalt  }
0x79: {  	_ =	shalt  }
0x7a: {  	_ =	shalt  }
0x7b: {  	_ =	shalt  }
0x7c: {  	_ =	shalt  }
0x7d: {  	_ =	shalt  }
0x7e: {  	_ =	shalt  }
0x7f: {  	_ =	shalt  }
0x80: {  	_ =	shalt  }
0x81: {  	_ =	shalt  }
0x82: {  	_ =	shalt  }
0x83: {  	_ =	shalt  }
0x84: {  	_ =	shalt  }
0x85: {  	_ =	shalt  }
0x86: {  	_ =	shalt  }
0x87: {  	_ =	shalt  }
.Lfunc_end0:
.L_simem_size_0:
called_computation_lowered:
.L_overlay_start_0:
0x88: {  	s2 =	sld [smem:$0x3FD9]  }
0x89: {  	s3 =	sld [smem:$0x3FFE];
	_ =	sdelay $0x1  }
0x8a: {  	s1 =	srdreg.scid  }
0x8b: {  	s0 =	sand.u32 $0x1, s1  }
0x8c: {  	s18 =	sshll.u32 s0, $0xA;
	s2 =	sadd.s32 s3, s2  }
0x8d: {  	s2 =	sadd.s32 s2, s18  }
0x8e: {  	[smem:$0x3FC5] =	sst s2  }
0x8f: {  	_ = 	snop  }
0x90: {  	s2 =	sld [smem:$0x3FC9]  }
0x91: {  	s19 =	sld [smem:$0x3FC8]  }
0x92: {  	s4 =	sld [smem:$0x3FC7]  }
0x93: {  	s5 =	sld [smem:$0x3FD0];
	(tm) =	ssettm $0x1  }
0x94: {  	s6 =	sld [smem:$0x3FFB];
	_ =	sdelay $0x3  }
0x95: {  	_ =	strace s6  }
0x96: {  	s6 =	sld [smem:$0x3FFC];
	_ =	sdelay $0x3  }
0x97: {  	_ =	strace s6  }
0x98: {  	s6 =	sld [smem:$0x3FFD];
	_ =	sdelay $0x3  }
0x99: {  	_ =	strace s6  }
0x9a: {  	_ =	strace $0x8FFFFFFF  }
0x9b: {  	s20 =	sld [smem:$0x3FDB];
	_ =	sdelay $0x1  }
0x9c: {  	s7 =	simm.s32 $_scs_section_size  }
0x9d: {  	s8 =	simm.s32 $_size__tile_overlayer_lowered;
	s9 =	simm.s32 $_tile_overlayer_lowered  }
0x9e: {  	s23 =	simm.s32 $0x1BFF;
	s22 =	sshll.u32 s9, $0x1;
	s6 =	sadd.s32 s7, s20  }
0x9f: {  	s10 =	simm.s32 $0x0;
	s21 =	sshll.u32 s8, $0x1;
	s8 =	sadd.s32 s22, s6  }
0xa0: {  	[timem:s10], [sflag:s23] =	dma.local [hbm:s8], s21  }
0xa1: {  	_ =	swait.ge [sflag:s23], s21  }
0xa2: {  	s7 =	ssub.s32 $0x0, s21;
	[sflag:s23] =	ssyncset.done $0x0  }
0xa3: {  	[sflag:s23] =	ssyncadd.s32 s7;
	_ =	sdelay $0x1  }
0xa4: {  	s24 =	simm.s32 $0x1B8B  }
0xa5: {  	_ =	swait.ge [sflag:s24], $0x1  }
0xa6: {  	[sflag:s24] =	ssyncset.done $0x0  }
0xa7: {  	s25 =	simm.s32 $0x1B8E;
	[sflag:s24] =	ssyncadd.s32 $0xFFFFFFFF  }
0xa8: {  	s26 =	simm.s32 $execute0_lowered;
	[smem:$0x3FD2] =	sst s25  }
0xa9: {  	s7 =	sshll.u32 s26, $0x1;
	_ =	strace $0x80000046;
	[dreg:$0x1] =	wrdreg $0xFFFFFFFF  }
0xaa: {  	s28 =	simm.s32 $_size_execute0_lowered;
	s6 =	sadd.s32 s6, s7;
	[dreg:$0x0] =	wrdreg $0x0  }
0xab: {  	s7 =	sshll.u32 s28, $0x1;
	[dreg:$0x2] =	wrdreg s6  }
0xac: {  	[dreg:$0x3] =	wrdreg s7  }
0xad: {  	[dreg:$0x4] =	wrdreg $0xC0  }
0xae: {  	_ =	task [dreg:s10], $0x5FFFF  }
0xaf: {  	[dreg:$0x1] =	wrdreg $0xFFFFFFFF  }
0xb0: {  	[dreg:$0x0] =	wrdreg $0x60  }
0xb1: {  	[dreg:$0x2] =	wrdreg s2  }
0xb2: {  	[dreg:$0x3] =	wrdreg s19  }
0xb3: {  	[dreg:$0x4] =	wrdreg s4  }
0xb4: {  	[dreg:$0x5] =	wrdreg s5  }
0xb5: {  	[dreg:$0x6] =	wrdreg $0x0  }
0xb6: {  	[dreg:$0x7] =	wrdreg $0x9  }
0xb7: {  	_ =	task.clear_ibuf [dreg:s10], $0x8FFFF;
	_ =	strace $0x90000046  }
0xb8: {  	s29 =	simm.s32 $0x9;
	_ =	strace $0x80000048  }
0xb9: {  	_ =	swait.ge [sflag:s29], $0x1  }
0xba: {  	[sflag:s29] =	ssyncadd.s32 $0xFFFFFFFF  }
0xbb: {  	_ =	strace $0x90000048  }
0xbc: {  	_ =	sfence  }
0xbd: {  	s30 =	sld [smem:$0x0];
	_ =	sdelay $0x2  }
0xbe: {  	s31 =	sshll.u32 s1, $0xD;
	s1 =	sshrl.u32 s1, $0x2  }
0xbf: {  	s3 =	sand.u32 $0x4000, s31;
	s1 =	sadd.s32 s1, s30  }
0xc0: {  	s0 =	sor.u32 s3, s0;
	s1 =	sshll.u32 s1, $0x11  }
0xc1: {  	s0 =	sor.u32 s1, s0  }
0xc2: {  	s0 =	sadd.s32 $0x8F2B, s0  }
0xc3: {  	[sflag:s0] =	ssyncadd.remote.s32 $0x1  }
0xc4: {  	_ =	sfence.sel $0xFFFF  }
0xc5: {  	[dreg:$0x0] =	wrdreg $0xFFFFFFFF;
	(pc) =	sbr.abs _section_cstart, $3  }
0xc6: {  	[dreg:$0x1] =	wrdreg $0xFFFFFFFF  }
0xc7: {  	_ =	task.clear_ibuf [dreg:s10], $0x2FFFF;
	_ =	strace $0x9FFFFFFF  }
0xc8: {  	(tm) =	ssettm $0x7FFFFFFF  }
0xc9: {  	_ =	shalt  }
tec
execute0_lowered:
.L_overlay_start_1:
0x0: {  	(tag) =	ssettag $0x1  }
0x1: {  	s0 =	rddreg [dreg:$0x0]  }
0x2: {  	s1 =	rddreg [dreg:$0x1]  }
0x3: {  	s2 =	rddreg [dreg:$0x3]  }
0x4: {  	s3 =	srdreg.scid;
	s4 =	stileid.u32  }
0x5: {  	s14 =	rddreg [dreg:$0x4];
	s19 =	simm.s32 $0x19F70;
	s20 =	simm.s32 $0x8  }
0x6: {  	s21 =	simm.s32 $0x1870;
	s22 =	simm.s32 $0x1;
	s23 =	simm.s32 $0x2  }
0x7: {  	s28 =	simm.s32 $0x4;
	s29 =	simm.s32 $0x6;
	s30 =	simm.s32 $0x5  }
0x8: {  	s31 =	simm.s32 $0x7;
	s5 =	sand.u32 $0x1, s3;
	s6 =	sshll.u32 s4, $0x1  }
0x9: {  	s3 =	simm.s32 $0x0;
	p0 =	sne.s32 s4, $0x0;
	s6 =	sor.u32 s5, s6  }
0xa: {  	[smem:$0x7FF] =	sst s3;
	s5 =	ssub.s32 $0x2, s5;
	s18 =	sshrl.u32 @!p0 s14, $0x3  }
0xb: {  	s9 =	sshll.u32 s6, $0xB;
	_ =	strace $0x80000047;
	s7 =	sshrl.u32 s5, $0x1  }
0xc: {  	s6 =	sshll.u32 s6, $0x4;
	s10 =	sor.u32 $0x200, s9;
	s5 =	ssub.s32 s5, s7  }
0xd: {  	s24 =	sadd.s32 s0, s9;
	s11 =	sor.u32 $0x400, s9;
	s12 =	sor.u32 $0x600, s9  }
0xe: {  	s8 =	sadd.s32 s1, s6;
	s9 =	sadd.s32 s2, s9;
	s1 =	simm.s32 $0x0  }
0xf: {  	[dreg:$0x6] =	wrdreg s24;
	s25 =	sadd.s32 s0, s10;
	s26 =	sadd.s32 s0, s11  }
0x10: {  	s0 =	sadd.s32 s0, s12;
	s10 =	sadd.s32 s2, s10;
	[dreg:$0x7] =	wrdreg s25  }
0x11: {  	s11 =	sadd.s32 s2, s11;
	s12 =	sadd.s32 s2, s12;
	[dreg:$0x8] =	wrdreg s26  }
0x12: {  	v0 =	vimm.s32 $0x0;
	s13 =	smax.u32 s5, $0x1;
	[dreg:$0x9] =	wrdreg s0;
	s25 =	simm.s32 $0x3  }
.LBB2_1:
0x13: {  	s0 =	rddreg [dreg:$0x6]  }
0x14: {  	s2 =	simm.s32 $0x19FF0;
	s4 =	rddreg [dreg:$0x7]  }
0x15: {  	[tilespmem:s2], [sflag:$0x2] =	stream.linear.gather [hbm4b:s0+s3], $0x1000, $0x38;
	v63 =	vld [tilespmem:$0x0]  }
0x16: {  	s5 =	simm.s32 $0x1AFF0;
	s6 =	rddreg [dreg:$0x8]  }
0x17: {  	[tilespmem:s5], [sflag:$0x3] =	stream.linear.gather [hbm4b:s4+s3], $0x1000, $0x38;
	v63 =	vld [tilespmem:$0x0]  }
0x18: {  	s7 =	simm.s32 $0x1BFF0;
	s14 =	rddreg [dreg:$0x9]  }
0x19: {  	[tilespmem:s7], [sflag:$0x4] =	stream.linear.gather [hbm4b:s6+s3], $0x1000, $0x38;
	v63 =	vld [tilespmem:$0x0]  }
0x1a: {  	s15 =	simm.s32 $0x1CFF0;
	s0 =	simm.s32 @!p0 $0x1C08;
	s2 =	rddreg [dreg:$0x2]  }
0x1b: {  	[tilespmem:s15], [sflag:$0x5] =	stream.linear.gather [hbm4b:s14+s3], $0x1000, $0x38;
	v63 =	vld [tilespmem:$0x0]  }
0x1c: {  	[spmem:s18], [sflag:s0] =	dma.local @!p0 [hbm:s2], $0x30E0  }
0x1d: {  	s0 =	simm.s32 @!p0 $0x8  }
0x1e: {  	_ =	swait.ge @!p0 [sflag:s0], $0x30E0  }
0x1f: {  	[sflag:s0] =	ssyncset.done @!p0 $0x0  }
0x20: {  	[sflag:s0] =	ssyncadd.s32 @!p0 $0xFFFFCF20  }
0x21: {  	[tilespmem:s19], [sflag:$0x8] =	stream.linear.gather [hbm4b:s8+s3], $0x80, $0x38;
	v63 =	vld [tilespmem:$0x0]  }
0x22: {  	_ =	swait.ge [sflag:s20], $0x80  }
0x23: {  	[sflag:s20] =	ssyncset.done $0x0  }
0x24: {  	[sflag:s20] =	ssyncadd.s32 $0xFFFFFF80  }
0x25: {  	[bflag:$0x0] =	sbarrier.arrive $0xFFFF  }
0x26: {  	s16 =	rddreg [dreg:$0x4]  }
0x27: {  	[tilespmem:s21], [sflag:$0x1] =	stream.linear.gather [spmem:s16], $0x18700, $0x38;
	v63 =	vld [tilespmem:$0x0]  }
0x28: {  	_ =	swait.ge [sflag:s22], $0x18700  }
0x29: {  	[sflag:s22] =	ssyncset.done $0x0  }
0x2a: {  	[sflag:s22] =	ssyncadd.s32 $0xFFFE7900  }
0x2b: {  	_ =	swait.ge [sflag:s23], $0x1000  }
0x2c: {  	[sflag:s23] =	ssyncset.done $0x0  }
0x2d: {  	s24 =	simm.s32 $0x1A070;
	[sflag:s23] =	ssyncadd.s32 $0xFFFFF000  }
0x2e: {  	v1 =	vld [tilespmem:s24+$0x0]  }
0x2f: {  	s17 =	simm.s32 $0x1  }
0x30: {  	v2 =	vmov s3;
	v3 =	vmov s17  }
0x31: {  	v2 =	vand.u32 $0xFFFFFFFE, v2;
	v4 =	vld [tilespmem:s24+$0xFFFFFF80]  }
0x32: {  	v2 =	vbroadcast v2, $0x0;
	_ =	sdelay $0x2  }
0x33: {  	v10 =	vld.idx.msk [tilespmem:v3+s19+$0x0], $0xffff  }
0x34: {  	v3 =	vld.idx.msk [tilespmem:v1+s21+$0x0], $0xffff;
	_ =	sdelay $0x1  }
0x35: {  	v1 =	vld.idx.msk [tilespmem:v2+s19+$0x0], $0xffff  }
0x36: {  	v2 =	vld.idx.msk [tilespmem:v4+s21+$0x0], $0xffff;
	_ =	sdelay $0x1  }
0x37: {  	vm0 =	veq.s32 v3, v10  }
0x38: {  	s0 =	simm.s32 $0x1E070;
	v3 =	vsel vm0, $0x3F800000, v0  }
0x39: {  	[tilespmem:s0+$0x0] =	vst v3  }
0x3a: {  	vm0 =	veq.s32 v2, v1;
	v3 =	vld [tilespmem:s24+$0x10]  }
0x3b: {  	v2 =	vsel vm0, $0x3F800000, v0  }
0x3c: {  	[tilespmem:s0+$0xFFFFFF80] =	vst v2  }
0x3d: {  	v2 =	vld [tilespmem:s24+$0xFFFFFF90];
	_ =	sdelay $0x4  }
0x3e: {  	v3 =	vld.idx.msk [tilespmem:v3+s21+$0x0], $0xffff;
	_ =	sdelay $0x2  }
0x3f: {  	v2 =	vld.idx.msk [tilespmem:v2+s21+$0x0], $0xffff;
	_ =	sdelay $0x1  }
0x40: {  	s15 =	simm.s32 $0x1A170;
	vm0 =	veq.s32 v3, v10  }
0x41: {  	v4 =	vld [tilespmem:s15+$0x0];
	v3 =	vsel vm0, $0x3F800000, v0  }
0x42: {  	[tilespmem:s0+$0x10] =	vst v3  }
0x43: {  	s26 =	simm.s32 $0x2;
	vm0 =	veq.s32 v2, v1;
	v2 =	vld [tilespmem:s24+$0x20]  }
0x44: {  	s4 =	simm.s32 $0x3;
	v3 =	vmov s26;
	v6 =	vsel vm0, $0x3F800000, v0  }
0x45: {  	v5 =	vmov s4;
	v3 =	vand.u32 $0xFFFFFFFE, v3;
	[tilespmem:s0+$0xFFFFFF90] =	vst v6;
	v6 =	vld [tilespmem:s15+$0xFFFFFF80]  }
0x46: {  	v7 =	vbroadcast v3, $0x0;
	v8 =	vld [tilespmem:s24+$0xFFFFFFA0];
	_ =	sdelay $0x2  }
0x47: {  	v4 =	vld.idx.msk [tilespmem:v4+s21+$0x0], $0xffff  }
0x48: {  	v3 =	vld.idx.msk [tilespmem:v5+s19+$0x0], $0xffff  }
0x49: {  	v5 =	vld.idx.msk [tilespmem:v2+s21+$0x0], $0xffff  }
0x4a: {  	v2 =	vld.idx.msk [tilespmem:v7+s19+$0x0], $0xffff  }
0x4b: {  	v6 =	vld.idx.msk [tilespmem:v6+s21+$0x0], $0xffff  }
0x4c: {  	v7 =	vld.idx.msk [tilespmem:v8+s21+$0x0], $0xffff  }
0x4d: {  	vm0 =	veq.s32 v4, v3  }
0x4e: {  	s14 =	simm.s32 $0x1E170;
	v4 =	vsel vm0, $0x3F800000, v0;
	vm0 =	veq.s32 v5, v10  }
0x4f: {  	[tilespmem:s14+$0x0] =	vst v4;
	v4 =	vsel vm0, $0x3F800000, v0  }
0x50: {  	v5 =	vld [tilespmem:s15+$0x10];
	vm0 =	veq.s32 v6, v2;
	[tilespmem:s0+$0x20] =	vst v4  }
0x51: {  	v6 =	vsel vm0, $0x3F800000, v0;
	vm0 =	veq.s32 v7, v1;
	v4 =	vld [tilespmem:s24+$0x30]  }
0x52: {  	[tilespmem:s14+$0xFFFFFF80] =	vst v6;
	v6 =	vsel vm0, $0x3F800000, v0  }
0x53: {  	v7 =	vld [tilespmem:s15+$0xFFFFFF90];
	[tilespmem:s0+$0xFFFFFFA0] =	vst v6  }
0x54: {  	v6 =	vld [tilespmem:s24+$0xFFFFFFB0];
	_ =	sdelay $0x3  }
0x55: {  	v5 =	vld.idx.msk [tilespmem:v5+s21+$0x0], $0xffff  }
0x56: {  	s17 =	simm.s32 $0x1A270;
	v4 =	vld.idx.msk [tilespmem:v4+s21+$0x0], $0xffff  }
0x57: {  	v11 =	vld [tilespmem:s17+$0xFFFFFF80]  }
0x58: {  	v7 =	vld.idx.msk [tilespmem:v7+s21+$0x0], $0xffff  }
0x59: {  	s5 =	simm.s32 $0x4;
	v6 =	vld.idx.msk [tilespmem:v6+s21+$0x0], $0xffff  }
0x5a: {  	v8 =	vmov s5;
	vm0 =	veq.s32 v5, v3  }
0x5b: {  	v5 =	vand.u32 $0xFFFFFFFE, v8;
	v8 =	vsel vm0, $0x3F800000, v0;
	vm0 =	veq.s32 v4, v10  }
0x5c: {  	[tilespmem:s14+$0x10] =	vst v8;
	v8 =	vld [tilespmem:s17+$0x0];
	v4 =	vbroadcast v5, $0x0;
	v5 =	vsel vm0, $0x3F800000, v0  }
0x5d: {  	s6 =	simm.s32 $0x5;
	vm0 =	veq.s32 v7, v2;
	v7 =	vld [tilespmem:s15+$0x20];
	[tilespmem:s0+$0x30] =	vst v5  }
0x5e: {  	v5 =	vmov s6;
	v9 =	vsel vm0, $0x3F800000, v0;
	vm0 =	veq.s32 v6, v1;
	v6 =	vld [tilespmem:s24+$0x40]  }
0x5f: {  	[tilespmem:s14+$0xFFFFFF90] =	vst v9;
	v9 =	vsel vm0, $0x3F800000, v0  }
0x60: {  	[tilespmem:s0+$0xFFFFFFB0] =	vst v9;
	v9 =	vld [tilespmem:s15+$0xFFFFFFA0]  }
0x61: {  	v11 =	vld.idx.msk [tilespmem:v11+s21+$0x0], $0xffff  }
0x62: {  	v12 =	vld [tilespmem:s24+$0xFFFFFFC0]  }
0x63: {  	v5 =	vld.idx.msk [tilespmem:v5+s19+$0x0], $0xffff  }
0x64: {  	v8 =	vld.idx.msk [tilespmem:v8+s21+$0x0], $0xffff  }
0x65: {  	v7 =	vld.idx.msk [tilespmem:v7+s21+$0x0], $0xffff  }
0x66: {  	v6 =	vld.idx.msk [tilespmem:v6+s21+$0x0], $0xffff  }
0x67: {  	v4 =	vld.idx.msk [tilespmem:v4+s19+$0x0], $0xffff  }
0x68: {  	v9 =	vld.idx.msk [tilespmem:v9+s21+$0x0], $0xffff  }
0x69: {  	vm0 =	veq.s32 v8, v5  }
0x6a: {  	s16 =	simm.s32 $0x1E270;
	v8 =	vld.idx.msk [tilespmem:v12+s21+$0x0], $0xffff;
	v12 =	vsel vm0, $0x3F800000, v0;
	vm0 =	veq.s32 v7, v3  }
0x6b: {  	[tilespmem:s16+$0x0] =	vst v12;
	v7 =	vsel vm0, $0x3F800000, v0;
	vm0 =	veq.s32 v6, v10  }
0x6c: {  	v6 =	vld [tilespmem:s17+$0x10];
	[tilespmem:s14+$0x20] =	vst v7;
	v7 =	vsel vm0, $0x3F800000, v0;
	vm0 =	veq.s32 v11, v4  }
0x6d: {  	v11 =	vld [tilespmem:s15+$0x30];
	[tilespmem:s0+$0x40] =	vst v7;
	v7 =	vsel vm0, $0x3F800000, v0;
	vm0 =	veq.s32 v9, v2  }
0x6e: {  	v9 =	vld [tilespmem:s24+$0x50];
	[tilespmem:s16+$0xFFFFFF80] =	vst v7;
	v7 =	vsel vm0, $0x3F800000, v0  }
0x6f: {  	vm0 =	veq.s32 v8, v1;
	v8 =	vld [tilespmem:s17+$0xFFFFFF90];
	[tilespmem:s14+$0xFFFFFFA0] =	vst v7  }
0x70: {  	s7 =	simm.s32 $0x6;
	v7 =	vsel vm0, $0x3F800000, v0;
	v12 =	vld [tilespmem:s15+$0xFFFFFFB0]  }
0x71: {  	v13 =	vmov s7;
	[tilespmem:s0+$0xFFFFFFC0] =	vst v7  }
0x72: {  	v13 =	vand.u32 $0xFFFFFFFE, v13;
	v7 =	vld [tilespmem:s24+$0xFFFFFFD0]  }
0x73: {  	v13 =	vbroadcast v13, $0x0  }
0x74: {  	v6 =	vld.idx.msk [tilespmem:v6+s21+$0x0], $0xffff  }
0x75: {  	v11 =	vld.idx.msk [tilespmem:v11+s21+$0x0], $0xffff  }
0x76: {  	v9 =	vld.idx.msk [tilespmem:v9+s21+$0x0], $0xffff  }
0x77: {  	v8 =	vld.idx.msk [tilespmem:v8+s21+$0x0], $0xffff  }
0x78: {  	v12 =	vld.idx.msk [tilespmem:v12+s21+$0x0], $0xffff  }
0x79: {  	vm0 =	veq.s32 v6, v5;
	v6 =	vld.idx.msk [tilespmem:v13+s19+$0x0], $0xffff  }
0x7a: {  	s2 =	simm.s32 $0x1A370;
	v14 =	vld.idx.msk [tilespmem:v7+s21+$0x0], $0xffff;
	v7 =	vsel vm0, $0x3F800000, v0;
	vm0 =	veq.s32 v11, v3  }
0x7b: {  	[tilespmem:s16+$0x10] =	vst v7;
	v7 =	vsel vm0, $0x3F800000, v0;
	vm0 =	veq.s32 v9, v10;
	v9 =	vld [tilespmem:s2+$0x0]  }
0x7c: {  	s26 =	simm.s32 $0x7;
	[tilespmem:s14+$0x30] =	vst v7;
	v11 =	vld [tilespmem:s17+$0x20];
	v7 =	vsel vm0, $0x3F800000, v0  }
0x7d: {  	vm0 =	veq.s32 v8, v4;
	v8 =	vld [tilespmem:s15+$0x40];
	[tilespmem:s0+$0x50] =	vst v7;
	v7 =	vmov s26  }
0x7e: {  	v13 =	vsel vm0, $0x3F800000, v0;
	vm0 =	veq.s32 v12, v2;
	v12 =	vld [tilespmem:s24+$0x60]  }
0x7f: {  	v15 =	vld [tilespmem:s2+$0xFFFFFF80];
	[tilespmem:s16+$0xFFFFFF90] =	vst v13;
	v13 =	vsel vm0, $0x3F800000, v0  }
0x80: {  	[tilespmem:s14+$0xFFFFFFB0] =	vst v13;
	v13 =	vld [tilespmem:s17+$0xFFFFFFA0]  }
0x81: {  	v16 =	vld [tilespmem:s15+$0xFFFFFFC0]  }
0x82: {  	v7 =	vld.idx.msk [tilespmem:v7+s19+$0x0], $0xffff  }
0x83: {  	v9 =	vld.idx.msk [tilespmem:v9+s21+$0x0], $0xffff  }
0x84: {  	v11 =	vld.idx.msk [tilespmem:v11+s21+$0x0], $0xffff  }
0x85: {  	v8 =	vld.idx.msk [tilespmem:v8+s21+$0x0], $0xffff  }
0x86: {  	v12 =	vld.idx.msk [tilespmem:v12+s21+$0x0], $0xffff  }
0x87: {  	vm0 =	veq.s32 v14, v1;
	v14 =	vld.idx.msk [tilespmem:v15+s21+$0x0], $0xffff  }
0x88: {  	v15 =	vsel vm0, $0x3F800000, v0;
	v13 =	vld.idx.msk [tilespmem:v13+s21+$0x0], $0xffff;
	vm0 =	veq.s32 v9, v7  }
0x89: {  	s4 =	simm.s32 $0x1E370;
	[tilespmem:s0+$0xFFFFFFD0] =	vst v15;
	v9 =	vld.idx.msk [tilespmem:v16+s21+$0x0], $0xffff;
	v15 =	vsel vm0, $0x3F800000, v0;
	vm0 =	veq.s32 v11, v5  }
0x8a: {  	v11 =	vld [tilespmem:s24+$0xFFFFFFE0];
	[tilespmem:s4+$0x0] =	vst v15;
	v15 =	vsel vm0, $0x3F800000, v0;
	vm0 =	veq.s32 v8, v3  }
0x8b: {  	v8 =	vld [tilespmem:s2+$0x10];
	[tilespmem:s16+$0x20] =	vst v15;
	v15 =	vsel vm0, $0x3F800000, v0;
	vm0 =	veq.s32 v12, v10  }
0x8c: {  	vm1 =	veq.s32 v14, v6;
	v12 =	vld [tilespmem:s17+$0x30];
	[tilespmem:s14+$0x40] =	vst v15;
	v14 =	vsel vm0, $0x3F800000, v0  }
0x8d: {  	v15 =	vsel vm1, $0x3F800000, v0;
	vm0 =	veq.s32 v13, v4;
	v13 =	vld [tilespmem:s15+$0x50];
	[tilespmem:s0+$0x60] =	vst v14  }
0x8e: {  	[tilespmem:s4+$0xFFFFFF80] =	vst v15;
	v14 =	vsel vm0, $0x3F800000, v0;
	vm0 =	veq.s32 v9, v2;
	v9 =	vld [tilespmem:s24+$0x70]  }
0x8f: {  	v15 =	vld [tilespmem:s2+$0xFFFFFF90];
	[tilespmem:s16+$0xFFFFFFA0] =	vst v14;
	v14 =	vsel vm0, $0x3F800000, v0  }
0x90: {  	v16 =	vld [tilespmem:s17+$0xFFFFFFB0];
	[tilespmem:s14+$0xFFFFFFC0] =	vst v14  }
0x91: {  	s5 =	simm.s32 $0x8;
	v14 =	vld [tilespmem:s15+$0xFFFFFFD0]  }
0x92: {  	v17 =	vmov s5;
	v11 =	vld.idx.msk [tilespmem:v11+s21+$0x0], $0xffff  }
0x93: {  	v17 =	vand.u32 $0xFFFFFFFE, v17;
	v8 =	vld.idx.msk [tilespmem:v8+s21+$0x0], $0xffff  }
0x94: {  	v17 =	vbroadcast v17, $0x0;
	v12 =	vld.idx.msk [tilespmem:v12+s21+$0x0], $0xffff  }
0x95: {  	v13 =	vld.idx.msk [tilespmem:v13+s21+$0x0], $0xffff  }
0x96: {  	v18 =	vld.idx.msk [tilespmem:v9+s21+$0x0], $0xffff  }
0x97: {  	v15 =	vld.idx.msk [tilespmem:v15+s21+$0x0], $0xffff  }
0x98: {  	vm0 =	veq.s32 v11, v1;
	v16 =	vld.idx.msk [tilespmem:v16+s21+$0x0], $0xffff  }
0x99: {  	v9 =	vsel vm0, $0x3F800000, v0;
	vm1 =	veq.s32 v8, v7;
	v11 =	vld.idx.msk [tilespmem:v14+s21+$0x0], $0xffff  }
0x9a: {  	v8 =	vld.idx.msk [tilespmem:v17+s19+$0x0], $0xffff;
	[tilespmem:s0+$0xFFFFFFE0] =	vst v9;
	v14 =	vsel vm1, $0x3F800000, v0;
	vm0 =	veq.s32 v12, v5  }
0x9b: {  	s5 =	simm.s32 $0x1A470;
	v9 =	vld [tilespmem:s24+$0xFFFFFFF0];
	[tilespmem:s4+$0x10] =	vst v14;
	v12 =	vsel vm0, $0x3F800000, v0;
	vm0 =	veq.s32 v13, v3  }
0x9c: {  	v14 =	vld [tilespmem:s5+$0x0];
	[tilespmem:s16+$0x30] =	vst v12;
	v12 =	vsel vm0, $0x3F800000, v0;
	vm0 =	veq.s32 v18, v10  }
0x9d: {  	s6 =	simm.s32 $0x9;
	vm1 =	veq.s32 v15, v6;
	v13 =	vld [tilespmem:s2+$0x20];
	[tilespmem:s14+$0x50] =	vst v12;
	v10 =	vsel vm0, $0x3F800000, v0  }
0x9e: {  	v15 =	vsel vm1, $0x3F800000, v0;
	vm0 =	veq.s32 v16, v4;
	v12 =	vld [tilespmem:s17+$0x40];
	[tilespmem:s0+$0x70] =	vst v10;
	v10 =	vmov s6  }
0x9f: {  	s26 =	simm.s32 $0x1A470;
	s24 =	simm.s32 $0x1E370;
	s6 =	simm.s32 $0xA;
	[tilespmem:s4+$0xFFFFFF90] =	vst v15;
	v15 =	vsel vm0, $0x3F800000, v0;
	vm0 =	veq.s32 v11, v2;
	v11 =	vld [tilespmem:s15+$0x60]  }
.LBB2_2:
0xa0: {  	p1 =	slt.u32 s6, $0x1E;
	v16 =	vld [tilespmem:s5+$0xFFFFFF80];
	[tilespmem:s16+$0xFFFFFFB0] =	vst v15;
	v15 =	vsel vm0, $0x3F800000, v0  }
0xa1: {  	v17 =	vld [tilespmem:s2+$0xFFFFFFA0];
	[tilespmem:s14+$0xFFFFFFD0] =	vst v15  }
0xa2: {  	v15 =	vld [tilespmem:s17+$0xFFFFFFC0]  }
0xa3: {  	v10 =	vld.idx.msk [tilespmem:v10+s19+$0x0], $0xffff  }
0xa4: {  	v14 =	vld.idx.msk [tilespmem:v14+s21+$0x0], $0xffff  }
0xa5: {  	v13 =	vld.idx.msk [tilespmem:v13+s21+$0x0], $0xffff  }
0xa6: {  	v12 =	vld.idx.msk [tilespmem:v12+s21+$0x0], $0xffff  }
0xa7: {  	v11 =	vld.idx.msk [tilespmem:v11+s21+$0x0], $0xffff  }
0xa8: {  	v16 =	vld.idx.msk [tilespmem:v16+s21+$0x0], $0xffff  }
0xa9: {  	v17 =	vld.idx.msk [tilespmem:v17+s21+$0x0], $0xffff  }
0xaa: {  	vm0 =	veq.s32 v14, v10;
	v14 =	vld.idx.msk [tilespmem:v15+s21+$0x0], $0xffff  }
0xab: {  	s4 =	sadd.s32 $0x100, s4;
	v15 =	vsel vm0, $0x3F800000, v0;
	vm0 =	veq.s32 v13, v7;
	v13 =	vld [tilespmem:s15+$0xFFFFFFE0]  }
0xac: {  	[tilespmem:s4+$0x0] =	vst v15;
	v15 =	vsel vm0, $0x3F800000, v0;
	vm0 =	veq.s32 v12, v5;
	v9 =	vld.idx.msk [tilespmem:v9+s21+$0x0], $0xffff  }
0xad: {  	v12 =	vld [tilespmem:s5+$0x10];
	[tilespmem:s24+$0x20] =	vst v15;
	v15 =	vsel vm0, $0x3F800000, v0;
	vm0 =	veq.s32 v11, v3  }
0xae: {  	vm1 =	veq.s32 v16, v8;
	v11 =	vld [tilespmem:s2+$0x30];
	[tilespmem:s16+$0x40] =	vst v15;
	v15 =	vsel vm0, $0x3F800000, v0  }
0xaf: {  	v16 =	vsel vm1, $0x3F800000, v0;
	vm0 =	veq.s32 v17, v6;
	v17 =	vld [tilespmem:s17+$0x50];
	[tilespmem:s14+$0x60] =	vst v15  }
0xb0: {  	v15 =	vsel vm0, $0x3F800000, v0;
	vm0 =	veq.s32 v14, v4;
	[tilespmem:s4+$0xFFFFFF80] =	vst v16;
	v14 =	vld [tilespmem:s15+$0x70]  }
0xb1: {  	v16 =	vld [tilespmem:s5+$0xFFFFFF90];
	[tilespmem:s24+$0xFFFFFFA0] =	vst v15;
	v15 =	vsel vm0, $0x3F800000, v0  }
0xb2: {  	vm0 =	veq.s32 v9, v1;
	v1 =	vmovc v2;
	v2 =	vmovc v4;
	v4 =	vmov v6;
	v6 =	vmov v8;
	v18 =	vld [tilespmem:s2+$0xFFFFFFB0];
	[tilespmem:s16+$0xFFFFFFC0] =	vst v15  }
0xb3: {  	v9 =	vsel vm0, $0x3F800000, v0;
	v8 =	vld [tilespmem:s17+$0xFFFFFFD0]  }
0xb4: {  	v15 =	vmov s6;
	v13 =	vld.idx.msk [tilespmem:v13+s21+$0x0], $0xffff;
	[tilespmem:s0+$0xFFFFFFF0] =	vst v9;
	s0 =	smov.u32 s14;
	s14 =	smov.u32 s16;
	s16 =	smov.u32 s24  }
0xb5: {  	v9 =	vand.u32 $0xFFFFFFFE, v15;
	s24 =	smov.u32 s4;
	v12 =	vld.idx.msk [tilespmem:v12+s21+$0x0], $0xffff  }
0xb6: {  	v9 =	vbroadcast v9, $0x0;
	v11 =	vld.idx.msk [tilespmem:v11+s21+$0x0], $0xffff  }
0xb7: {  	v15 =	vld.idx.msk [tilespmem:v17+s21+$0x0], $0xffff  }
0xb8: {  	v17 =	vld.idx.msk [tilespmem:v14+s21+$0x0], $0xffff  }
0xb9: {  	v16 =	vld.idx.msk [tilespmem:v16+s21+$0x0], $0xffff  }
0xba: {  	vm0 =	veq.s32 v13, v1;
	v18 =	vld.idx.msk [tilespmem:v18+s21+$0x0], $0xffff  }
0xbb: {  	vm1 =	veq.s32 v12, v10;
	v12 =	vsel vm0, $0x3F800000, v0;
	v19 =	vld.idx.msk [tilespmem:v8+s21+$0x0], $0xffff  }
0xbc: {  	vm0 =	veq.s32 v11, v7;
	v8 =	vld.idx.msk [tilespmem:v9+s19+$0x0], $0xffff;
	v9 =	vsel vm1, $0x3F800000, v0;
	[tilespmem:s0+$0xFFFFFFE0] =	vst v12  }
.Ltmp0:
0xbd: {  	s5 =	sadd.s32 $0x100, s5;
	v11 =	vsel vm0, $0x3F800000, v0;
	vm0 =	veq.s32 v15, v5;
	[tilespmem:s4+$0x10] =	vst v9;
	v9 =	vld [tilespmem:s15+$0xFFFFFFF0];
	s15 =	smov.u32 s17;
	(pc) =	sbr.rel @p1 .LBB2_2-.Ltmp0, $4  }
0xbe: {  	s17 =	smov.u32 s2;
	s2 =	smov.u32 s26;
	s26 =	smov.u32 s5;
	v14 =	vld [tilespmem:s5+$0x0];
	[tilespmem:s16+$0x30] =	vst v11;
	v11 =	vsel vm0, $0x3F800000, v0;
	vm0 =	veq.s32 v17, v3;
	v3 =	vmovc v5;
	v5 =	vmovc v7;
	v7 =	vmov v10  }
0xbf: {  	s7 =	sadd.s32 $0x1, s6;
	vm1 =	veq.s32 v16, v6;
	v13 =	vld [tilespmem:s2+$0x20];
	[tilespmem:s14+$0x50] =	vst v11;
	v11 =	vsel vm0, $0x3F800000, v0  }
0xc0: {  	v10 =	vmov s7;
	v15 =	vsel vm1, $0x3F800000, v0;
	vm0 =	veq.s32 v18, v4;
	v12 =	vld [tilespmem:s17+$0x40];
	[tilespmem:s0+$0x70] =	vst v11  }
0xc1: {  	s6 =	sadd.s32 $0x2, s6;
	[tilespmem:s4+$0xFFFFFF90] =	vst v15;
	v15 =	vsel vm0, $0x3F800000, v0;
	vm0 =	veq.s32 v19, v2;
	v11 =	vld [tilespmem:s15+$0x60]  }
0xc2: {  	v16 =	vld [tilespmem:s5+$0xFFFFFF80];
	_ =	sdelay $0x5  }
0xc3: {  	v10 =	vld.idx.msk [tilespmem:v10+s19+$0x0], $0xffff  }
0xc4: {  	v14 =	vld.idx.msk [tilespmem:v14+s21+$0x0], $0xffff  }
0xc5: {  	v16 =	vld.idx.msk [tilespmem:v16+s21+$0x0], $0xffff;
	_ =	sdelay $0x3  }
0xc6: {  	vm1 =	veq.s32 v14, v10  }
0xc7: {  	s4 =	sadd.s32 $0x100, s4;
	v14 =	vsel vm1, $0x3F800000, v0;
	vm5 =	veq.s32 v16, v8  }
0xc8: {  	[tilespmem:s4+$0x0] =	vst v14;
	v14 =	vsel vm5, $0x3F800000, v0  }
0xc9: {  	v16 =	vld [tilespmem:s5+$0x10];
	[tilespmem:s4+$0xFFFFFF80] =	vst v14  }
0xca: {  	v14 =	vld [tilespmem:s5+$0xFFFFFF90];
	_ =	sdelay $0x6  }
0xcb: {  	v16 =	vld.idx.msk [tilespmem:v16+s21+$0x0], $0xffff  }
0xcc: {  	v14 =	vld.idx.msk [tilespmem:v14+s21+$0x0], $0xffff;
	_ =	sdelay $0x3  }
0xcd: {  	vm6 =	veq.s32 v16, v10  }
0xce: {  	v16 =	vsel vm6, $0x3F800000, v0;
	vm7 =	veq.s32 v14, v8  }
0xcf: {  	[tilespmem:s4+$0x10] =	vst v16;
	v14 =	vld [tilespmem:s2+$0xFFFFFFA0];
	v16 =	vsel vm7, $0x3F800000, v0  }
0xd0: {  	v17 =	vld [tilespmem:s26+$0x20];
	[tilespmem:s4+$0xFFFFFF90] =	vst v16  }
0xd1: {  	v16 =	vld [tilespmem:s26+$0xFFFFFFA0];
	_ =	sdelay $0x4  }
0xd2: {  	v13 =	vld.idx.msk [tilespmem:v13+s21+$0x0], $0xffff  }
0xd3: {  	v14 =	vld.idx.msk [tilespmem:v14+s21+$0x0], $0xffff  }
0xd4: {  	v17 =	vld.idx.msk [tilespmem:v17+s21+$0x0], $0xffff  }
0xd5: {  	v16 =	vld.idx.msk [tilespmem:v16+s21+$0x0], $0xffff;
	_ =	sdelay $0x1  }
0xd6: {  	vm8 =	veq.s32 v13, v7  }
0xd7: {  	v13 =	vsel vm8, $0x3F800000, v0;
	vm9 =	veq.s32 v14, v6  }
0xd8: {  	[tilespmem:s24+$0x20] =	vst v13;
	vm10 =	veq.s32 v17, v10;
	v13 =	vsel vm9, $0x3F800000, v0  }
0xd9: {  	v14 =	vld [tilespmem:s2+$0x30];
	[tilespmem:s24+$0xFFFFFFA0] =	vst v13;
	v13 =	vsel vm10, $0x3F800000, v0;
	vm11 =	veq.s32 v16, v8  }
0xda: {  	v16 =	vld [tilespmem:s2+$0xFFFFFFB0];
	[tilespmem:s4+$0x20] =	vst v13;
	v13 =	vsel vm11, $0x3F800000, v0  }
0xdb: {  	v17 =	vld [tilespmem:s26+$0x30];
	[tilespmem:s4+$0xFFFFFFA0] =	vst v13  }
0xdc: {  	v13 =	vld [tilespmem:s26+$0xFFFFFFB0];
	_ =	sdelay $0x4  }
0xdd: {  	v14 =	vld.idx.msk [tilespmem:v14+s21+$0x0], $0xffff  }
0xde: {  	v16 =	vld.idx.msk [tilespmem:v16+s21+$0x0], $0xffff  }
0xdf: {  	v17 =	vld.idx.msk [tilespmem:v17+s21+$0x0], $0xffff  }
0xe0: {  	v13 =	vld.idx.msk [tilespmem:v13+s21+$0x0], $0xffff;
	_ =	sdelay $0x1  }
0xe1: {  	vm12 =	veq.s32 v14, v7  }
0xe2: {  	[tilespmem:s16+$0xFFFFFFB0] =	vst v15;
	v14 =	vsel vm12, $0x3F800000, v0;
	vm13 =	veq.s32 v16, v6  }
0xe3: {  	v15 =	vld [tilespmem:s17+$0xFFFFFFC0];
	[tilespmem:s24+$0x30] =	vst v14;
	v14 =	vsel vm13, $0x3F800000, v0;
	vm14 =	veq.s32 v17, v10  }
0xe4: {  	v16 =	vld [tilespmem:s2+$0x40];
	[tilespmem:s24+$0xFFFFFFB0] =	vst v14;
	v14 =	vsel vm14, $0x3F800000, v0;
	vm15 =	veq.s32 v13, v8  }
0xe5: {  	v13 =	vld [tilespmem:s2+$0xFFFFFFC0];
	[tilespmem:s4+$0x30] =	vst v14;
	v14 =	vsel vm15, $0x3F800000, v0  }
0xe6: {  	v17 =	vld [tilespmem:s26+$0x40];
	[tilespmem:s4+$0xFFFFFFB0] =	vst v14  }
0xe7: {  	v14 =	vld [tilespmem:s26+$0xFFFFFFC0];
	_ =	sdelay $0x2  }
0xe8: {  	v12 =	vld.idx.msk [tilespmem:v12+s21+$0x0], $0xffff  }
0xe9: {  	v15 =	vld.idx.msk [tilespmem:v15+s21+$0x0], $0xffff  }
0xea: {  	v16 =	vld.idx.msk [tilespmem:v16+s21+$0x0], $0xffff  }
0xeb: {  	v13 =	vld.idx.msk [tilespmem:v13+s21+$0x0], $0xffff  }
0xec: {  	v17 =	vld.idx.msk [tilespmem:v17+s21+$0x0], $0xffff  }
0xed: {  	vm4 =	veq.s32 v12, v5;
	v12 =	vld.idx.msk [tilespmem:v14+s21+$0x0], $0xffff  }
0xee: {  	vm5 =	veq.s32 v15, v4;
	v14 =	vsel vm4, $0x3F800000, v0  }
0xef: {  	vm6 =	veq.s32 v16, v7;
	[tilespmem:s16+$0x40] =	vst v14;
	v14 =	vsel vm5, $0x3F800000, v0  }
0xf0: {  	v15 =	vld [tilespmem:s17+$0x50];
	[tilespmem:s16+$0xFFFFFFC0] =	vst v14;
	v14 =	vsel vm6, $0x3F800000, v0;
	vm7 =	veq.s32 v13, v6  }
0xf1: {  	v13 =	vld [tilespmem:s17+$0xFFFFFFD0];
	[tilespmem:s24+$0x40] =	vst v14;
	v14 =	vsel vm7, $0x3F800000, v0;
	vm8 =	veq.s32 v17, v10  }
0xf2: {  	v16 =	vld [tilespmem:s2+$0x50];
	[tilespmem:s24+$0xFFFFFFC0] =	vst v14;
	v14 =	vsel vm8, $0x3F800000, v0;
	vm9 =	veq.s32 v12, v8  }
0xf3: {  	v12 =	vld [tilespmem:s2+$0xFFFFFFD0];
	[tilespmem:s4+$0x40] =	vst v14;
	v14 =	vsel vm9, $0x3F800000, v0  }
0xf4: {  	v17 =	vld [tilespmem:s26+$0x50];
	[tilespmem:s4+$0xFFFFFFC0] =	vst v14  }
0xf5: {  	v14 =	vld [tilespmem:s26+$0xFFFFFFD0];
	_ =	sdelay $0x2  }
0xf6: {  	v15 =	vld.idx.msk [tilespmem:v15+s21+$0x0], $0xffff  }
0xf7: {  	v13 =	vld.idx.msk [tilespmem:v13+s21+$0x0], $0xffff  }
0xf8: {  	v16 =	vld.idx.msk [tilespmem:v16+s21+$0x0], $0xffff  }
0xf9: {  	v12 =	vld.idx.msk [tilespmem:v12+s21+$0x0], $0xffff  }
0xfa: {  	v17 =	vld.idx.msk [tilespmem:v17+s21+$0x0], $0xffff  }
0xfb: {  	v18 =	vsel vm0, $0x3F800000, v0;
	vm10 =	veq.s32 v15, v5;
	v14 =	vld.idx.msk [tilespmem:v14+s21+$0x0], $0xffff  }
0xfc: {  	v9 =	vld.idx.msk [tilespmem:v9+s21+$0x0], $0xffff;
	[tilespmem:s14+$0xFFFFFFD0] =	vst v18;
	v15 =	vsel vm10, $0x3F800000, v0;
	vm11 =	veq.s32 v13, v4  }
0xfd: {  	v13 =	vld [tilespmem:s15+$0xFFFFFFE0];
	[tilespmem:s16+$0x50] =	vst v15;
	v15 =	vsel vm11, $0x3F800000, v0;
	vm12 =	veq.s32 v16, v7  }
0xfe: {  	v16 =	vld [tilespmem:s17+$0x60];
	[tilespmem:s16+$0xFFFFFFD0] =	vst v15;
	v15 =	vsel vm12, $0x3F800000, v0;
	vm13 =	veq.s32 v12, v6  }
0xff: {  	v12 =	vld [tilespmem:s17+$0xFFFFFFE0];
	[tilespmem:s24+$0x50] =	vst v15;
	v15 =	vsel vm13, $0x3F800000, v0;
	vm14 =	veq.s32 v17, v10  }
0x100: {  	v17 =	vld [tilespmem:s2+$0x60];
	[tilespmem:s24+$0xFFFFFFD0] =	vst v15;
	v15 =	vsel vm14, $0x3F800000, v0;
	vm15 =	veq.s32 v14, v8  }
0x101: {  	v14 =	vld [tilespmem:s2+$0xFFFFFFE0];
	[tilespmem:s4+$0x50] =	vst v15;
	v15 =	vsel vm15, $0x3F800000, v0  }
0x102: {  	v18 =	vld [tilespmem:s26+$0x60];
	[tilespmem:s4+$0xFFFFFFD0] =	vst v15  }
0x103: {  	v15 =	vld [tilespmem:s26+$0xFFFFFFE0]  }
0x104: {  	v11 =	vld.idx.msk [tilespmem:v11+s21+$0x0], $0xffff  }
0x105: {  	v13 =	vld.idx.msk [tilespmem:v13+s21+$0x0], $0xffff  }
0x106: {  	v16 =	vld.idx.msk [tilespmem:v16+s21+$0x0], $0xffff  }
0x107: {  	v12 =	vld.idx.msk [tilespmem:v12+s21+$0x0], $0xffff  }
0x108: {  	v17 =	vld.idx.msk [tilespmem:v17+s21+$0x0], $0xffff  }
0x109: {  	vm4 =	veq.s32 v11, v3;
	v11 =	vld.idx.msk [tilespmem:v14+s21+$0x0], $0xffff  }
0x10a: {  	v14 =	vsel vm4, $0x3F800000, v0;
	vm5 =	veq.s32 v13, v2;
	v13 =	vld.idx.msk [tilespmem:v18+s21+$0x0], $0xffff  }
0x10b: {  	[tilespmem:s14+$0x60] =	vst v14;
	v14 =	vsel vm5, $0x3F800000, v0;
	vm6 =	veq.s32 v16, v5;
	v15 =	vld.idx.msk [tilespmem:v15+s21+$0x0], $0xffff  }
0x10c: {  	v16 =	vld [tilespmem:s15+$0x70];
	[tilespmem:s14+$0xFFFFFFE0] =	vst v14;
	v14 =	vsel vm6, $0x3F800000, v0;
	vm7 =	veq.s32 v12, v4  }
0x10d: {  	v12 =	vld [tilespmem:s15+$0xFFFFFFF0];
	[tilespmem:s16+$0x60] =	vst v14;
	v14 =	vsel vm7, $0x3F800000, v0;
	vm8 =	veq.s32 v17, v7  }
0x10e: {  	v17 =	vld [tilespmem:s17+$0x70];
	[tilespmem:s16+$0xFFFFFFE0] =	vst v14;
	v14 =	vsel vm8, $0x3F800000, v0;
	vm9 =	veq.s32 v11, v6  }
0x10f: {  	v11 =	vld [tilespmem:s17+$0xFFFFFFF0];
	[tilespmem:s24+$0x60] =	vst v14;
	v14 =	vsel vm9, $0x3F800000, v0;
	vm10 =	veq.s32 v13, v10  }
0x110: {  	v13 =	vld [tilespmem:s2+$0x70];
	[tilespmem:s24+$0xFFFFFFE0] =	vst v14;
	v14 =	vsel vm10, $0x3F800000, v0;
	vm11 =	veq.s32 v15, v8  }
0x111: {  	v15 =	vld [tilespmem:s2+$0xFFFFFFF0];
	[tilespmem:s4+$0x60] =	vst v14;
	v14 =	vsel vm11, $0x3F800000, v0  }
0x112: {  	v18 =	vld [tilespmem:s26+$0x70];
	[tilespmem:s4+$0xFFFFFFE0] =	vst v14  }
0x113: {  	v14 =	vld [tilespmem:s26+$0xFFFFFFF0]  }
0x114: {  	v16 =	vld.idx.msk [tilespmem:v16+s21+$0x0], $0xffff  }
0x115: {  	v12 =	vld.idx.msk [tilespmem:v12+s21+$0x0], $0xffff  }
0x116: {  	v17 =	vld.idx.msk [tilespmem:v17+s21+$0x0], $0xffff  }
0x117: {  	v11 =	vld.idx.msk [tilespmem:v11+s21+$0x0], $0xffff  }
0x118: {  	vm12 =	veq.s32 v9, v1;
	v1 =	vld.idx.msk [tilespmem:v13+s21+$0x0], $0xffff  }
0x119: {  	v9 =	vsel vm12, $0x3F800000, v0;
	vm13 =	veq.s32 v16, v3;
	v3 =	vld.idx.msk [tilespmem:v15+s21+$0x0], $0xffff  }
0x11a: {  	[tilespmem:s0+$0xFFFFFFF0] =	vst v9;
	v9 =	vsel vm13, $0x3F800000, v0;
	vm14 =	veq.s32 v12, v2;
	v2 =	vld.idx.msk [tilespmem:v18+s21+$0x0], $0xffff  }
0x11b: {  	[tilespmem:s14+$0x70] =	vst v9;
	v9 =	vsel vm14, $0x3F800000, v0;
	vm15 =	veq.s32 v17, v5;
	v5 =	vld.idx.msk [tilespmem:v14+s21+$0x0], $0xffff  }
0x11c: {  	[tilespmem:s14+$0xFFFFFFF0] =	vst v9;
	v9 =	vsel vm15, $0x3F800000, v0;
	vm4 =	veq.s32 v11, v4  }
0x11d: {  	[tilespmem:s16+$0x70] =	vst v9;
	v4 =	vsel vm4, $0x3F800000, v0;
	vm5 =	veq.s32 v1, v7  }
0x11e: {  	[tilespmem:s16+$0xFFFFFFF0] =	vst v4;
	v1 =	vsel vm5, $0x3F800000, v0;
	vm6 =	veq.s32 v3, v6  }
0x11f: {  	[tilespmem:s24+$0x70] =	vst v1;
	v1 =	vsel vm6, $0x3F800000, v0;
	vm7 =	veq.s32 v2, v10  }
0x120: {  	[tilespmem:s24+$0xFFFFFFF0] =	vst v1;
	v1 =	vsel vm7, $0x3F800000, v0;
	vm8 =	veq.s32 v5, v8  }
0x121: {  	[tilespmem:s4+$0x70] =	vst v1;
	v1 =	vsel vm8, $0x3F800000, v0  }
0x122: {  	s24 =	simm.s32 $0x1DFF0;
	[tilespmem:s4+$0xFFFFFFF0] =	vst v1  }
0x123: {  	[hbm4b:s9+s3] =	stream.linear.scatter [tilespmem:s24], [sflag:$0x6], $0x1000, $0x38;
	v63 =	vld [tilespmem:$0x0]  }
0x124: {  	_ =	swait.ge [sflag:s25], $0x1000  }
0x125: {  	s26 =	simm.s32 $0x20;
	[sflag:s25] =	ssyncset.done $0x0  }
0x126: {  	s14 =	simm.s32 $0x1B070;
	v1 =	vmov s26;
	[sflag:s25] =	ssyncadd.s32 $0xFFFFF000  }
0x127: {  	v1 =	vand.u32 $0xFFFFFFFE, v1;
	v3 =	vld [tilespmem:s14+$0xFFFFFF80]  }
0x128: {  	v1 =	vbroadcast v1, $0x0;
	_ =	sdelay $0x2  }
0x129: {  	v4 =	vld [tilespmem:s14+$0x0]  }
0x12a: {  	s2 =	simm.s32 $0x21  }
0x12b: {  	v5 =	vmov s2  }
0x12c: {  	v2 =	vld.idx.msk [tilespmem:v1+s19+$0x0], $0xffff  }
0x12d: {  	v3 =	vld.idx.msk [tilespmem:v3+s21+$0x0], $0xffff;
	_ =	sdelay $0x2  }
0x12e: {  	v1 =	vld.idx.msk [tilespmem:v5+s19+$0x0], $0xffff  }
0x12f: {  	v4 =	vld.idx.msk [tilespmem:v4+s21+$0x0], $0xffff  }
0x130: {  	vm9 =	veq.s32 v3, v2  }
0x131: {  	s0 =	simm.s32 $0x1F070;
	v3 =	vsel vm9, $0x3F800000, v0  }
0x132: {  	[tilespmem:s0+$0xFFFFFF80] =	vst v3  }
0x133: {  	v3 =	vld [tilespmem:s14+$0xFFFFFF90]  }
0x134: {  	vm10 =	veq.s32 v4, v1  }
0x135: {  	v4 =	vsel vm10, $0x3F800000, v0  }
0x136: {  	[tilespmem:s0+$0x0] =	vst v4  }
0x137: {  	v4 =	vld [tilespmem:s14+$0x10];
	_ =	sdelay $0x3  }
0x138: {  	v3 =	vld.idx.msk [tilespmem:v3+s21+$0x0], $0xffff;
	_ =	sdelay $0x3  }
0x139: {  	v4 =	vld.idx.msk [tilespmem:v4+s21+$0x0], $0xffff  }
0x13a: {  	s4 =	simm.s32 $0x22;
	vm11 =	veq.s32 v3, v2  }
0x13b: {  	s16 =	simm.s32 $0x1B170;
	v5 =	vmov s4;
	v3 =	vsel vm11, $0x3F800000, v0  }
0x13c: {  	[tilespmem:s0+$0xFFFFFF90] =	vst v3;
	v3 =	vand.u32 $0xFFFFFFFE, v5;
	v5 =	vld [tilespmem:s16+$0xFFFFFF80]  }
0x13d: {  	v3 =	vbroadcast v3, $0x0;
	v6 =	vld [tilespmem:s14+$0xFFFFFFA0]  }
0x13e: {  	vm12 =	veq.s32 v4, v1  }
0x13f: {  	v7 =	vld [tilespmem:s16+$0x0];
	v4 =	vsel vm12, $0x3F800000, v0  }
0x140: {  	[tilespmem:s0+$0x10] =	vst v4  }
0x141: {  	v8 =	vld [tilespmem:s14+$0x20]  }
0x142: {  	s5 =	simm.s32 $0x23  }
0x143: {  	v9 =	vmov s5;
	v4 =	vld.idx.msk [tilespmem:v3+s19+$0x0], $0xffff  }
0x144: {  	v5 =	vld.idx.msk [tilespmem:v5+s21+$0x0], $0xffff  }
0x145: {  	v6 =	vld.idx.msk [tilespmem:v6+s21+$0x0], $0xffff;
	_ =	sdelay $0x1  }
0x146: {  	v7 =	vld.idx.msk [tilespmem:v7+s21+$0x0], $0xffff  }
0x147: {  	v3 =	vld.idx.msk [tilespmem:v9+s19+$0x0], $0xffff  }
0x148: {  	v8 =	vld.idx.msk [tilespmem:v8+s21+$0x0], $0xffff;
	vm13 =	veq.s32 v5, v4  }
0x149: {  	s15 =	simm.s32 $0x1F170;
	v5 =	vsel vm13, $0x3F800000, v0;
	vm14 =	veq.s32 v6, v2  }
0x14a: {  	[tilespmem:s15+$0xFFFFFF80] =	vst v5;
	v5 =	vsel vm14, $0x3F800000, v0  }
0x14b: {  	v6 =	vld [tilespmem:s16+$0xFFFFFF90];
	[tilespmem:s0+$0xFFFFFFA0] =	vst v5  }
0x14c: {  	vm15 =	veq.s32 v7, v3;
	v5 =	vld [tilespmem:s14+$0xFFFFFFB0]  }
0x14d: {  	v7 =	vsel vm15, $0x3F800000, v0;
	vm4 =	veq.s32 v8, v1  }
0x14e: {  	[tilespmem:s15+$0x0] =	vst v7;
	v7 =	vsel vm4, $0x3F800000, v0  }
0x14f: {  	v8 =	vld [tilespmem:s16+$0x10];
	[tilespmem:s0+$0x20] =	vst v7  }
0x150: {  	v7 =	vld [tilespmem:s14+$0x30];
	_ =	sdelay $0x2  }
0x151: {  	v6 =	vld.idx.msk [tilespmem:v6+s21+$0x0], $0xffff  }
0x152: {  	s17 =	simm.s32 $0x1B270;
	v5 =	vld.idx.msk [tilespmem:v5+s21+$0x0], $0xffff  }
0x153: {  	v9 =	vld [tilespmem:s17+$0xFFFFFF80];
	_ =	sdelay $0x1  }
0x154: {  	v8 =	vld.idx.msk [tilespmem:v8+s21+$0x0], $0xffff  }
0x155: {  	v7 =	vld.idx.msk [tilespmem:v7+s21+$0x0], $0xffff;
	vm5 =	veq.s32 v6, v4  }
0x156: {  	s6 =	simm.s32 $0x24;
	v6 =	vsel vm5, $0x3F800000, v0;
	vm6 =	veq.s32 v5, v2  }
0x157: {  	v5 =	vmov s6;
	[tilespmem:s15+$0xFFFFFF90] =	vst v6;
	v6 =	vsel vm6, $0x3F800000, v0  }
0x158: {  	s7 =	simm.s32 $0x25;
	v5 =	vand.u32 $0xFFFFFFFE, v5;
	[tilespmem:s0+$0xFFFFFFB0] =	vst v6;
	v11 =	vld [tilespmem:s16+$0xFFFFFFA0]  }
0x159: {  	v10 =	vmov s7;
	vm7 =	veq.s32 v8, v3;
	v6 =	vbroadcast v5, $0x0;
	v8 =	vld [tilespmem:s14+$0xFFFFFFC0]  }
0x15a: {  	v9 =	vld.idx.msk [tilespmem:v9+s21+$0x0], $0xffff;
	vm8 =	veq.s32 v7, v1;
	v5 =	vsel vm7, $0x3F800000, v0  }
0x15b: {  	v7 =	vld [tilespmem:s17+$0x0];
	[tilespmem:s15+$0x10] =	vst v5;
	v5 =	vsel vm8, $0x3F800000, v0  }
0x15c: {  	[tilespmem:s0+$0x30] =	vst v5;
	v12 =	vld [tilespmem:s16+$0x20]  }
0x15d: {  	v13 =	vld [tilespmem:s14+$0x40]  }
0x15e: {  	v5 =	vld.idx.msk [tilespmem:v10+s19+$0x0], $0xffff  }
0x15f: {  	v6 =	vld.idx.msk [tilespmem:v6+s19+$0x0], $0xffff  }
0x160: {  	v10 =	vld.idx.msk [tilespmem:v11+s21+$0x0], $0xffff  }
0x161: {  	v8 =	vld.idx.msk [tilespmem:v8+s21+$0x0], $0xffff;
	_ =	sdelay $0x1  }
0x162: {  	v7 =	vld.idx.msk [tilespmem:v7+s21+$0x0], $0xffff  }
0x163: {  	v11 =	vld.idx.msk [tilespmem:v12+s21+$0x0], $0xffff;
	vm9 =	veq.s32 v9, v6  }
0x164: {  	s2 =	simm.s32 $0x1F270;
	v9 =	vld.idx.msk [tilespmem:v13+s21+$0x0], $0xffff;
	v12 =	vsel vm9, $0x3F800000, v0;
	vm10 =	veq.s32 v10, v4  }
0x165: {  	[tilespmem:s2+$0xFFFFFF80] =	vst v12;
	v10 =	vsel vm10, $0x3F800000, v0;
	vm11 =	veq.s32 v8, v2  }
0x166: {  	v8 =	vld [tilespmem:s17+$0xFFFFFF90];
	[tilespmem:s15+$0xFFFFFFA0] =	vst v10;
	v10 =	vsel vm11, $0x3F800000, v0  }
0x167: {  	vm12 =	veq.s32 v7, v5;
	v7 =	vld [tilespmem:s16+$0xFFFFFFB0];
	[tilespmem:s0+$0xFFFFFFC0] =	vst v10  }
0x168: {  	vm13 =	veq.s32 v11, v3;
	v10 =	vsel vm12, $0x3F800000, v0;
	v11 =	vld [tilespmem:s14+$0xFFFFFFD0]  }
0x169: {  	vm14 =	veq.s32 v9, v1;
	[tilespmem:s2+$0x0] =	vst v10;
	v10 =	vsel vm13, $0x3F800000, v0  }
0x16a: {  	v9 =	vld [tilespmem:s17+$0x10];
	[tilespmem:s15+$0x20] =	vst v10;
	v10 =	vsel vm14, $0x3F800000, v0  }
0x16b: {  	v12 =	vld [tilespmem:s16+$0x30];
	[tilespmem:s0+$0x40] =	vst v10  }
0x16c: {  	v10 =	vld [tilespmem:s14+$0x50];
	_ =	sdelay $0x1  }
0x16d: {  	v8 =	vld.idx.msk [tilespmem:v8+s21+$0x0], $0xffff  }
0x16e: {  	v13 =	vld.idx.msk [tilespmem:v7+s21+$0x0], $0xffff  }
0x16f: {  	s4 =	simm.s32 $0x1B370;
	v11 =	vld.idx.msk [tilespmem:v11+s21+$0x0], $0xffff  }
0x170: {  	v15 =	vld [tilespmem:s4+$0x0]  }
0x171: {  	s24 =	simm.s32 $0x27;
	v9 =	vld.idx.msk [tilespmem:v9+s21+$0x0], $0xffff  }
0x172: {  	s26 =	simm.s32 $0x26;
	v7 =	vmov s24;
	v12 =	vld.idx.msk [tilespmem:v12+s21+$0x0], $0xffff;
	vm15 =	veq.s32 v8, v6  }
0x173: {  	v10 =	vld.idx.msk [tilespmem:v10+s21+$0x0], $0xffff;
	v8 =	vsel vm15, $0x3F800000, v0;
	vm4 =	veq.s32 v13, v4;
	v13 =	vmov s26  }
0x174: {  	[tilespmem:s2+$0xFFFFFF90] =	vst v8;
	v8 =	vsel vm4, $0x3F800000, v0;
	vm5 =	veq.s32 v11, v2;
	v11 =	vand.u32 $0xFFFFFFFE, v13;
	v13 =	vld [tilespmem:s4+$0xFFFFFF80]  }
0x175: {  	v14 =	vld [tilespmem:s17+$0xFFFFFFA0];
	[tilespmem:s15+$0xFFFFFFB0] =	vst v8;
	v8 =	vsel vm5, $0x3F800000, v0;
	v11 =	vbroadcast v11, $0x0  }
0x176: {  	vm6 =	veq.s32 v9, v5;
	[tilespmem:s0+$0xFFFFFFD0] =	vst v8;
	v9 =	vld [tilespmem:s16+$0xFFFFFFC0]  }
0x177: {  	v8 =	vsel vm6, $0x3F800000, v0;
	vm7 =	veq.s32 v12, v3;
	v12 =	vld [tilespmem:s14+$0xFFFFFFE0]  }
0x178: {  	v7 =	vld.idx.msk [tilespmem:v7+s19+$0x0], $0xffff;
	[tilespmem:s2+$0x10] =	vst v8;
	v8 =	vsel vm7, $0x3F800000, v0  }
0x179: {  	[tilespmem:s15+$0x30] =	vst v8;
	v16 =	vld [tilespmem:s17+$0x20]  }
0x17a: {  	v17 =	vld [tilespmem:s16+$0x40]  }
0x17b: {  	v8 =	vld.idx.msk [tilespmem:v11+s19+$0x0], $0xffff  }
0x17c: {  	v11 =	vld.idx.msk [tilespmem:v13+s21+$0x0], $0xffff  }
0x17d: {  	v13 =	vld.idx.msk [tilespmem:v14+s21+$0x0], $0xffff  }
0x17e: {  	v9 =	vld.idx.msk [tilespmem:v9+s21+$0x0], $0xffff  }
0x17f: {  	v12 =	vld.idx.msk [tilespmem:v12+s21+$0x0], $0xffff  }
0x180: {  	vm8 =	veq.s32 v10, v1;
	v10 =	vld.idx.msk [tilespmem:v15+s21+$0x0], $0xffff  }
0x181: {  	v14 =	vsel vm8, $0x3F800000, v0;
	v15 =	vld.idx.msk [tilespmem:v16+s21+$0x0], $0xffff;
	vm9 =	veq.s32 v11, v8  }
0x182: {  	s5 =	simm.s32 $0x1F370;
	[tilespmem:s0+$0x50] =	vst v14;
	v14 =	vld.idx.msk [tilespmem:v17+s21+$0x0], $0xffff;
	vm10 =	veq.s32 v13, v6;
	v11 =	vsel vm9, $0x3F800000, v0  }
0x183: {  	v16 =	vld [tilespmem:s14+$0x60];
	[tilespmem:s5+$0xFFFFFF80] =	vst v11;
	v11 =	vsel vm10, $0x3F800000, v0;
	vm11 =	veq.s32 v9, v4  }
0x184: {  	v17 =	vld [tilespmem:s4+$0xFFFFFF90];
	[tilespmem:s2+$0xFFFFFFA0] =	vst v11;
	v9 =	vsel vm11, $0x3F800000, v0;
	vm12 =	veq.s32 v12, v2  }
0x185: {  	vm13 =	veq.s32 v10, v7;
	v13 =	vld [tilespmem:s17+$0xFFFFFFB0];
	[tilespmem:s15+$0xFFFFFFC0] =	vst v9;
	v9 =	vsel vm12, $0x3F800000, v0  }
0x186: {  	v10 =	vsel vm13, $0x3F800000, v0;
	vm14 =	veq.s32 v15, v5;
	v11 =	vld [tilespmem:s16+$0xFFFFFFD0];
	[tilespmem:s0+$0xFFFFFFE0] =	vst v9  }
0x187: {  	[tilespmem:s5+$0x0] =	vst v10;
	v10 =	vsel vm14, $0x3F800000, v0;
	vm15 =	veq.s32 v14, v3;
	v9 =	vld [tilespmem:s14+$0xFFFFFFF0]  }
0x188: {  	v15 =	vld [tilespmem:s4+$0x10];
	[tilespmem:s2+$0x20] =	vst v10;
	v10 =	vsel vm15, $0x3F800000, v0  }
0x189: {  	v14 =	vld [tilespmem:s17+$0x30];
	[tilespmem:s15+$0x40] =	vst v10  }
0x18a: {  	v12 =	vld [tilespmem:s16+$0x50]  }
0x18b: {  	v10 =	vld.idx.msk [tilespmem:v16+s21+$0x0], $0xffff  }
0x18c: {  	s6 =	simm.s32 $0x6;
	s24 =	simm.s32 $0x1F370;
	s26 =	simm.s32 $0x1B370;
	v16 =	vld.idx.msk [tilespmem:v17+s21+$0x0], $0xffff  }
.LBB2_4:
0x18d: {  	s7 =	sadd.s32 $0x23, s6;
	v13 =	vld.idx.msk [tilespmem:v13+s21+$0x0], $0xffff  }
0x18e: {  	v17 =	vmov s7;
	v11 =	vld.idx.msk [tilespmem:v11+s21+$0x0], $0xffff  }
0x18f: {  	v9 =	vld.idx.msk [tilespmem:v9+s21+$0x0], $0xffff  }
0x190: {  	v15 =	vld.idx.msk [tilespmem:v15+s21+$0x0], $0xffff  }
0x191: {  	vm0 =	veq.s32 v10, v1;
	v14 =	vld.idx.msk [tilespmem:v14+s21+$0x0], $0xffff  }
0x192: {  	vm1 =	veq.s32 v16, v8;
	v10 =	vld.idx.msk [tilespmem:v12+s21+$0x0], $0xffff;
	v12 =	vsel vm0, $0x3F800000, v0  }
0x193: {  	s7 =	sadd.s32 $0x22, s6;
	vm0 =	veq.s32 v13, v6;
	v16 =	vld.idx.msk [tilespmem:v17+s19+$0x0], $0xffff;
	v17 =	vsel vm1, $0x3F800000, v0;
	[tilespmem:s0+$0x60] =	vst v12  }
0x194: {  	s4 =	sadd.s32 $0x100, s4;
	v12 =	vmov s7;
	v13 =	vsel vm0, $0x3F800000, v0;
	vm0 =	veq.s32 v11, v4;
	[tilespmem:s5+$0xFFFFFF90] =	vst v17;
	v11 =	vld [tilespmem:s14+$0x70];
	s14 =	smov.u32 s16;
	s16 =	smov.u32 s17  }
0x195: {  	v12 =	vand.u32 $0xFFFFFFFE, v12;
	s17 =	smov.u32 s26;
	s26 =	smov.u32 s4;
	v17 =	vld [tilespmem:s4+$0xFFFFFF80];
	[tilespmem:s2+$0xFFFFFFB0] =	vst v13;
	v13 =	vsel vm0, $0x3F800000, v0;
	vm0 =	veq.s32 v9, v2;
	v2 =	vmovc v4;
	v4 =	vmovc v6  }
0x196: {  	v9 =	vbroadcast v12, $0x0;
	vm1 =	veq.s32 v15, v7;
	v6 =	vmovc v8;
	v12 =	vld [tilespmem:s17+$0xFFFFFFA0];
	[tilespmem:s15+$0xFFFFFFD0] =	vst v13;
	v13 =	vsel vm0, $0x3F800000, v0  }
0x197: {  	s6 =	sadd.s32 $0x2, s6;
	v8 =	vsel vm1, $0x3F800000, v0;
	vm0 =	veq.s32 v14, v5;
	v15 =	vld [tilespmem:s16+$0xFFFFFFC0];
	[tilespmem:s0+$0xFFFFFFF0] =	vst v13  }
0x198: {  	p1 =	slt.u32 s6, $0x1E;
	[tilespmem:s5+$0x10] =	vst v8;
	v8 =	vsel vm0, $0x3F800000, v0;
	v13 =	vld [tilespmem:s14+$0xFFFFFFE0];
	vm0 =	veq.s32 v10, v3  }
0x199: {  	v10 =	vld [tilespmem:s4+$0x0];
	[tilespmem:s2+$0x30] =	vst v8;
	v8 =	vsel vm0, $0x3F800000, v0  }
0x19a: {  	v14 =	vld [tilespmem:s17+$0x20];
	[tilespmem:s15+$0x50] =	vst v8  }
0x19b: {  	v18 =	vld [tilespmem:s16+$0x40]  }
0x19c: {  	v8 =	vld.idx.msk [tilespmem:v9+s19+$0x0], $0xffff  }
0x19d: {  	v9 =	vld.idx.msk [tilespmem:v17+s21+$0x0], $0xffff  }
0x19e: {  	v12 =	vld.idx.msk [tilespmem:v12+s21+$0x0], $0xffff  }
0x19f: {  	v15 =	vld.idx.msk [tilespmem:v15+s21+$0x0], $0xffff  }
0x1a0: {  	v13 =	vld.idx.msk [tilespmem:v13+s21+$0x0], $0xffff  }
0x1a1: {  	v10 =	vld.idx.msk [tilespmem:v10+s21+$0x0], $0xffff  }
0x1a2: {  	v14 =	vld.idx.msk [tilespmem:v14+s21+$0x0], $0xffff  }
0x1a3: {  	vm0 =	veq.s32 v9, v8;
	v9 =	vld.idx.msk [tilespmem:v18+s21+$0x0], $0xffff  }
0x1a4: {  	s5 =	sadd.s32 $0x100, s5;
	v17 =	vsel vm0, $0x3F800000, v0;
	vm0 =	veq.s32 v12, v6;
	v18 =	vld [tilespmem:s14+$0x60]  }
0x1a5: {  	v12 =	vsel vm0, $0x3F800000, v0;
	vm0 =	veq.s32 v15, v4;
	[tilespmem:s5+$0xFFFFFF80] =	vst v17;
	v17 =	vld.idx.msk [tilespmem:v11+s21+$0x0], $0xffff  }
0x1a6: {  	v11 =	vsel vm0, $0x3F800000, v0;
	vm0 =	veq.s32 v13, v2;
	v19 =	vld [tilespmem:s4+$0xFFFFFF90];
	[tilespmem:s24+$0xFFFFFFA0] =	vst v12  }
0x1a7: {  	vm1 =	veq.s32 v10, v16;
	v10 =	vsel vm0, $0x3F800000, v0;
	v13 =	vld [tilespmem:s17+$0xFFFFFFB0];
	[tilespmem:s2+$0xFFFFFFC0] =	vst v11  }
0x1a8: {  	v12 =	vsel vm1, $0x3F800000, v0;
	vm0 =	veq.s32 v14, v7;
	v11 =	vld [tilespmem:s16+$0xFFFFFFD0];
	[tilespmem:s15+$0xFFFFFFE0] =	vst v10  }
0x1a9: {  	v10 =	vsel vm0, $0x3F800000, v0;
	vm0 =	veq.s32 v9, v5;
	[tilespmem:s5+$0x0] =	vst v12;
	v9 =	vld [tilespmem:s14+$0xFFFFFFF0]  }
.Ltmp1:
0x1aa: {  	v15 =	vld [tilespmem:s4+$0x10];
	[tilespmem:s24+$0x20] =	vst v10;
	v10 =	vsel vm0, $0x3F800000, v0;
	(pc) =	sbr.rel @p1 .LBB2_4-.Ltmp1, $4  }
0x1ab: {  	vm0 =	veq.s32 v17, v1;
	v1 =	vmovc v3;
	v3 =	vmovc v5;
	v5 =	vmov v7;
	v7 =	vmov v16;
	v14 =	vld [tilespmem:s17+$0x30];
	[tilespmem:s2+$0x40] =	vst v10  }
0x1ac: {  	v16 =	vsel vm0, $0x3F800000, v0;
	v12 =	vld [tilespmem:s16+$0x50]  }
0x1ad: {  	v10 =	vld.idx.msk [tilespmem:v18+s21+$0x0], $0xffff;
	[tilespmem:s0+$0x70] =	vst v16;
	s0 =	smov.u32 s15;
	s15 =	smov.u32 s2;
	s2 =	smov.u32 s24  }
0x1ae: {  	s24 =	smov.u32 s5;
	v16 =	vld.idx.msk [tilespmem:v19+s21+$0x0], $0xffff  }
0x1af: {  	_ =	sdelay $0x3  }
0x1b0: {  	v15 =	vld.idx.msk [tilespmem:v15+s21+$0x0], $0xffff;
	_ =	sdelay $0x3  }
0x1b1: {  	vm0 =	veq.s32 v16, v8  }
0x1b2: {  	v16 =	vsel vm0, $0x3F800000, v0;
	vm14 =	veq.s32 v15, v7  }
0x1b3: {  	[tilespmem:s5+$0xFFFFFF90] =	vst v16;
	v15 =	vsel vm14, $0x3F800000, v0  }
0x1b4: {  	v16 =	vld [tilespmem:s26+$0xFFFFFFA0];
	[tilespmem:s5+$0x10] =	vst v15  }
0x1b5: {  	v15 =	vld [tilespmem:s26+$0x20];
	_ =	sdelay $0x6  }
0x1b6: {  	v16 =	vld.idx.msk [tilespmem:v16+s21+$0x0], $0xffff  }
0x1b7: {  	v15 =	vld.idx.msk [tilespmem:v15+s21+$0x0], $0xffff;
	_ =	sdelay $0x3  }
0x1b8: {  	vm15 =	veq.s32 v16, v8  }
0x1b9: {  	v16 =	vsel vm15, $0x3F800000, v0;
	vm4 =	veq.s32 v15, v7  }
0x1ba: {  	[tilespmem:s24+$0xFFFFFFA0] =	vst v16;
	v15 =	vsel vm4, $0x3F800000, v0  }
0x1bb: {  	v16 =	vld [tilespmem:s26+$0xFFFFFFB0];
	[tilespmem:s24+$0x20] =	vst v15  }
0x1bc: {  	v15 =	vld [tilespmem:s26+$0x30];
	_ =	sdelay $0x4  }
0x1bd: {  	v13 =	vld.idx.msk [tilespmem:v13+s21+$0x0], $0xffff  }
0x1be: {  	v14 =	vld.idx.msk [tilespmem:v14+s21+$0x0], $0xffff  }
0x1bf: {  	v16 =	vld.idx.msk [tilespmem:v16+s21+$0x0], $0xffff  }
0x1c0: {  	v15 =	vld.idx.msk [tilespmem:v15+s21+$0x0], $0xffff;
	_ =	sdelay $0x1  }
0x1c1: {  	vm5 =	veq.s32 v13, v6  }
0x1c2: {  	v13 =	vsel vm5, $0x3F800000, v0;
	vm6 =	veq.s32 v14, v5  }
0x1c3: {  	[tilespmem:s2+$0xFFFFFFB0] =	vst v13;
	v13 =	vsel vm6, $0x3F800000, v0;
	vm7 =	veq.s32 v16, v8  }
0x1c4: {  	v14 =	vld [tilespmem:s17+$0xFFFFFFC0];
	[tilespmem:s2+$0x30] =	vst v13;
	v13 =	vsel vm7, $0x3F800000, v0;
	vm8 =	veq.s32 v15, v7  }
0x1c5: {  	v15 =	vld [tilespmem:s17+$0x40];
	[tilespmem:s24+$0xFFFFFFB0] =	vst v13;
	v13 =	vsel vm8, $0x3F800000, v0  }
0x1c6: {  	v16 =	vld [tilespmem:s26+$0xFFFFFFC0];
	[tilespmem:s24+$0x30] =	vst v13  }
0x1c7: {  	v13 =	vld [tilespmem:s26+$0x40];
	_ =	sdelay $0x4  }
0x1c8: {  	v14 =	vld.idx.msk [tilespmem:v14+s21+$0x0], $0xffff  }
0x1c9: {  	v15 =	vld.idx.msk [tilespmem:v15+s21+$0x0], $0xffff  }
0x1ca: {  	v16 =	vld.idx.msk [tilespmem:v16+s21+$0x0], $0xffff  }
0x1cb: {  	v13 =	vld.idx.msk [tilespmem:v13+s21+$0x0], $0xffff;
	_ =	sdelay $0x1  }
0x1cc: {  	vm9 =	veq.s32 v14, v6  }
0x1cd: {  	v14 =	vsel vm9, $0x3F800000, v0;
	vm10 =	veq.s32 v15, v5  }
0x1ce: {  	[tilespmem:s2+$0xFFFFFFC0] =	vst v14;
	v14 =	vsel vm10, $0x3F800000, v0;
	vm11 =	veq.s32 v16, v8  }
0x1cf: {  	v15 =	vld [tilespmem:s17+$0xFFFFFFD0];
	[tilespmem:s2+$0x40] =	vst v14;
	v14 =	vsel vm11, $0x3F800000, v0;
	vm12 =	veq.s32 v13, v7  }
0x1d0: {  	v13 =	vld [tilespmem:s17+$0x50];
	[tilespmem:s24+$0xFFFFFFC0] =	vst v14;
	v14 =	vsel vm12, $0x3F800000, v0  }
0x1d1: {  	v16 =	vld [tilespmem:s26+$0xFFFFFFD0];
	[tilespmem:s24+$0x40] =	vst v14  }
0x1d2: {  	v14 =	vld [tilespmem:s26+$0x50];
	_ =	sdelay $0x2  }
0x1d3: {  	v11 =	vld.idx.msk [tilespmem:v11+s21+$0x0], $0xffff  }
0x1d4: {  	v12 =	vld.idx.msk [tilespmem:v12+s21+$0x0], $0xffff  }
0x1d5: {  	v15 =	vld.idx.msk [tilespmem:v15+s21+$0x0], $0xffff  }
0x1d6: {  	v13 =	vld.idx.msk [tilespmem:v13+s21+$0x0], $0xffff  }
0x1d7: {  	v16 =	vld.idx.msk [tilespmem:v16+s21+$0x0], $0xffff  }
0x1d8: {  	vm13 =	veq.s32 v11, v4;
	v11 =	vld.idx.msk [tilespmem:v14+s21+$0x0], $0xffff  }
0x1d9: {  	vm14 =	veq.s32 v12, v3;
	v14 =	vsel vm13, $0x3F800000, v0  }
0x1da: {  	v12 =	vsel vm14, $0x3F800000, v0;
	vm15 =	veq.s32 v15, v6;
	[tilespmem:s15+$0xFFFFFFD0] =	vst v14  }
0x1db: {  	[tilespmem:s15+$0x50] =	vst v12;
	v12 =	vsel vm15, $0x3F800000, v0;
	v14 =	vld [tilespmem:s16+$0xFFFFFFE0];
	vm4 =	veq.s32 v13, v5  }
0x1dc: {  	[tilespmem:s2+$0xFFFFFFD0] =	vst v12;
	v13 =	vld [tilespmem:s16+$0x60];
	v12 =	vsel vm4, $0x3F800000, v0;
	vm5 =	veq.s32 v16, v8  }
0x1dd: {  	v15 =	vld [tilespmem:s17+$0xFFFFFFE0];
	[tilespmem:s2+$0x50] =	vst v12;
	v12 =	vsel vm5, $0x3F800000, v0;
	vm6 =	veq.s32 v11, v7  }
0x1de: {  	v11 =	vld [tilespmem:s17+$0x60];
	[tilespmem:s24+$0xFFFFFFD0] =	vst v12;
	v12 =	vsel vm6, $0x3F800000, v0  }
0x1df: {  	v16 =	vld [tilespmem:s26+$0xFFFFFFE0];
	[tilespmem:s24+$0x50] =	vst v12  }
0x1e0: {  	v12 =	vld [tilespmem:s26+$0x60];
	_ =	sdelay $0x2  }
0x1e1: {  	v14 =	vld.idx.msk [tilespmem:v14+s21+$0x0], $0xffff  }
0x1e2: {  	v13 =	vld.idx.msk [tilespmem:v13+s21+$0x0], $0xffff  }
0x1e3: {  	v15 =	vld.idx.msk [tilespmem:v15+s21+$0x0], $0xffff  }
0x1e4: {  	v11 =	vld.idx.msk [tilespmem:v11+s21+$0x0], $0xffff  }
0x1e5: {  	vm7 =	veq.s32 v10, v1;
	v10 =	vld.idx.msk [tilespmem:v16+s21+$0x0], $0xffff  }
0x1e6: {  	v16 =	vsel vm7, $0x3F800000, v0;
	vm8 =	veq.s32 v14, v4;
	v12 =	vld.idx.msk [tilespmem:v12+s21+$0x0], $0xffff  }
0x1e7: {  	vm9 =	veq.s32 v13, v3;
	[tilespmem:s0+$0x60] =	vst v16;
	v14 =	vsel vm8, $0x3F800000, v0  }
0x1e8: {  	vm10 =	veq.s32 v15, v6;
	v13 =	vld [tilespmem:s14+$0x70];
	[tilespmem:s15+$0xFFFFFFE0] =	vst v14;
	v14 =	vsel vm9, $0x3F800000, v0  }
0x1e9: {  	v15 =	vld [tilespmem:s16+$0xFFFFFFF0];
	[tilespmem:s15+$0x60] =	vst v14;
	v14 =	vsel vm10, $0x3F800000, v0;
	vm11 =	veq.s32 v11, v5  }
0x1ea: {  	v11 =	vld [tilespmem:s16+$0x70];
	[tilespmem:s2+$0xFFFFFFE0] =	vst v14;
	v14 =	vsel vm11, $0x3F800000, v0;
	vm12 =	veq.s32 v10, v8  }
0x1eb: {  	v10 =	vld [tilespmem:s17+$0xFFFFFFF0];
	[tilespmem:s2+$0x60] =	vst v14;
	v14 =	vsel vm12, $0x3F800000, v0;
	vm13 =	veq.s32 v12, v7  }
0x1ec: {  	v12 =	vld [tilespmem:s17+$0x70];
	[tilespmem:s24+$0xFFFFFFE0] =	vst v14;
	v14 =	vsel vm13, $0x3F800000, v0  }
0x1ed: {  	v16 =	vld [tilespmem:s26+$0xFFFFFFF0];
	[tilespmem:s24+$0x60] =	vst v14  }
0x1ee: {  	v14 =	vld [tilespmem:s26+$0x70]  }
0x1ef: {  	v9 =	vld.idx.msk [tilespmem:v9+s21+$0x0], $0xffff  }
0x1f0: {  	v13 =	vld.idx.msk [tilespmem:v13+s21+$0x0], $0xffff  }
0x1f1: {  	v15 =	vld.idx.msk [tilespmem:v15+s21+$0x0], $0xffff  }
0x1f2: {  	v11 =	vld.idx.msk [tilespmem:v11+s21+$0x0], $0xffff  }
0x1f3: {  	v10 =	vld.idx.msk [tilespmem:v10+s21+$0x0], $0xffff  }
0x1f4: {  	vm14 =	veq.s32 v9, v2;
	v2 =	vld.idx.msk [tilespmem:v12+s21+$0x0], $0xffff  }
0x1f5: {  	v9 =	vsel vm14, $0x3F800000, v0;
	vm15 =	veq.s32 v13, v1;
	v1 =	vld.idx.msk [tilespmem:v16+s21+$0x0], $0xffff  }
0x1f6: {  	[tilespmem:s0+$0xFFFFFFF0] =	vst v9;
	v9 =	vsel vm15, $0x3F800000, v0;
	vm4 =	veq.s32 v15, v4;
	v4 =	vld.idx.msk [tilespmem:v14+s21+$0x0], $0xffff  }
0x1f7: {  	[tilespmem:s0+$0x70] =	vst v9;
	v9 =	vsel vm4, $0x3F800000, v0;
	vm5 =	veq.s32 v11, v3  }
0x1f8: {  	[tilespmem:s15+$0xFFFFFFF0] =	vst v9;
	v3 =	vsel vm5, $0x3F800000, v0;
	vm6 =	veq.s32 v10, v6  }
0x1f9: {  	[tilespmem:s15+$0x70] =	vst v3;
	v3 =	vsel vm6, $0x3F800000, v0;
	vm7 =	veq.s32 v2, v5  }
0x1fa: {  	[tilespmem:s2+$0xFFFFFFF0] =	vst v3;
	v2 =	vsel vm7, $0x3F800000, v0;
	vm8 =	veq.s32 v1, v8  }
0x1fb: {  	[tilespmem:s2+$0x70] =	vst v2;
	v1 =	vsel vm8, $0x3F800000, v0;
	vm9 =	veq.s32 v4, v7  }
0x1fc: {  	[tilespmem:s24+$0xFFFFFFF0] =	vst v1;
	v1 =	vsel vm9, $0x3F800000, v0  }
0x1fd: {  	s4 =	simm.s32 $0x1EFF0;
	[tilespmem:s24+$0x70] =	vst v1  }
0x1fe: {  	[hbm4b:s10+s3] =	stream.linear.scatter [tilespmem:s4], [sflag:$0x7], $0x1000, $0x38;
	v63 =	vld [tilespmem:$0x0]  }
0x1ff: {  	_ =	swait.ge [sflag:s28], $0x1000  }
0x200: {  	[sflag:s28] =	ssyncset.done $0x0  }
0x201: {  	[sflag:s28] =	ssyncadd.s32 $0xFFFFF000  }
0x202: {  	_ =	swait.ge [sflag:s29], $0x1000  }
0x203: {  	s5 =	simm.s32 $0x40;
	[sflag:s29] =	ssyncset.done $0x0  }
0x204: {  	s14 =	simm.s32 $0x1C070;
	v1 =	vmov s5;
	[sflag:s29] =	ssyncadd.s32 $0xFFFFF000  }
0x205: {  	v1 =	vand.u32 $0xFFFFFFFE, v1;
	v3 =	vld [tilespmem:s14+$0xFFFFFF80]  }
0x206: {  	v1 =	vbroadcast v1, $0x0;
	_ =	sdelay $0x2  }
0x207: {  	v4 =	vld [tilespmem:s14+$0x0]  }
0x208: {  	s6 =	simm.s32 $0x41  }
0x209: {  	v5 =	vmov s6  }
0x20a: {  	v2 =	vld.idx.msk [tilespmem:v1+s19+$0x0], $0xffff  }
0x20b: {  	v3 =	vld.idx.msk [tilespmem:v3+s21+$0x0], $0xffff;
	_ =	sdelay $0x2  }
0x20c: {  	v1 =	vld.idx.msk [tilespmem:v5+s19+$0x0], $0xffff  }
0x20d: {  	v4 =	vld.idx.msk [tilespmem:v4+s21+$0x0], $0xffff  }
0x20e: {  	vm10 =	veq.s32 v3, v2  }
0x20f: {  	s0 =	simm.s32 $0x1E070;
	v3 =	vsel vm10, $0x3F800000, v0  }
0x210: {  	[tilespmem:s0+$0xFFFFFF80] =	vst v3  }
0x211: {  	v3 =	vld [tilespmem:s14+$0xFFFFFF90]  }
0x212: {  	vm11 =	veq.s32 v4, v1  }
0x213: {  	v4 =	vsel vm11, $0x3F800000, v0  }
0x214: {  	[tilespmem:s0+$0x0] =	vst v4  }
0x215: {  	v4 =	vld [tilespmem:s14+$0x10];
	_ =	sdelay $0x3  }
0x216: {  	v3 =	vld.idx.msk [tilespmem:v3+s21+$0x0], $0xffff;
	_ =	sdelay $0x3  }
0x217: {  	v4 =	vld.idx.msk [tilespmem:v4+s21+$0x0], $0xffff  }
0x218: {  	s7 =	simm.s32 $0x42;
	vm12 =	veq.s32 v3, v2  }
0x219: {  	s16 =	simm.s32 $0x1C170;
	v5 =	vmov s7;
	v3 =	vsel vm12, $0x3F800000, v0  }
0x21a: {  	[tilespmem:s0+$0xFFFFFF90] =	vst v3;
	v3 =	vand.u32 $0xFFFFFFFE, v5;
	v5 =	vld [tilespmem:s16+$0xFFFFFF80]  }
0x21b: {  	v3 =	vbroadcast v3, $0x0;
	v6 =	vld [tilespmem:s14+$0xFFFFFFA0]  }
0x21c: {  	v7 =	vld [tilespmem:s16+$0x0];
	vm13 =	veq.s32 v4, v1  }
0x21d: {  	v4 =	vsel vm13, $0x3F800000, v0  }
0x21e: {  	[tilespmem:s0+$0x10] =	vst v4  }
0x21f: {  	s15 =	simm.s32 $0x43;
	v8 =	vld [tilespmem:s14+$0x20]  }
0x220: {  	v9 =	vmov s15  }
0x221: {  	v4 =	vld.idx.msk [tilespmem:v3+s19+$0x0], $0xffff  }
0x222: {  	v5 =	vld.idx.msk [tilespmem:v5+s21+$0x0], $0xffff  }
0x223: {  	v6 =	vld.idx.msk [tilespmem:v6+s21+$0x0], $0xffff  }
0x224: {  	v7 =	vld.idx.msk [tilespmem:v7+s21+$0x0], $0xffff  }
0x225: {  	v3 =	vld.idx.msk [tilespmem:v9+s19+$0x0], $0xffff;
	_ =	sdelay $0x1  }
0x226: {  	v8 =	vld.idx.msk [tilespmem:v8+s21+$0x0], $0xffff;
	vm14 =	veq.s32 v5, v4  }
0x227: {  	s15 =	simm.s32 $0x1E170;
	v5 =	vsel vm14, $0x3F800000, v0;
	vm15 =	veq.s32 v6, v2  }
0x228: {  	[tilespmem:s15+$0xFFFFFF80] =	vst v5;
	v5 =	vsel vm15, $0x3F800000, v0  }
0x229: {  	vm4 =	veq.s32 v7, v3;
	v6 =	vld [tilespmem:s16+$0xFFFFFF90];
	[tilespmem:s0+$0xFFFFFFA0] =	vst v5  }
0x22a: {  	v7 =	vsel vm4, $0x3F800000, v0;
	v5 =	vld [tilespmem:s14+$0xFFFFFFB0]  }
0x22b: {  	vm5 =	veq.s32 v8, v1;
	[tilespmem:s15+$0x0] =	vst v7  }
0x22c: {  	v7 =	vsel vm5, $0x3F800000, v0;
	v8 =	vld [tilespmem:s16+$0x10]  }
0x22d: {  	[tilespmem:s0+$0x20] =	vst v7  }
0x22e: {  	v7 =	vld [tilespmem:s14+$0x30];
	_ =	sdelay $0x2  }
0x22f: {  	v6 =	vld.idx.msk [tilespmem:v6+s21+$0x0], $0xffff  }
0x230: {  	v5 =	vld.idx.msk [tilespmem:v5+s21+$0x0], $0xffff;
	_ =	sdelay $0x1  }
0x231: {  	v8 =	vld.idx.msk [tilespmem:v8+s21+$0x0], $0xffff;
	_ =	sdelay $0x1  }
0x232: {  	s17 =	simm.s32 $0x44;
	v7 =	vld.idx.msk [tilespmem:v7+s21+$0x0], $0xffff;
	vm6 =	veq.s32 v6, v4  }
0x233: {  	s24 =	simm.s32 $0x45;
	v6 =	vsel vm6, $0x3F800000, v0;
	vm7 =	veq.s32 v5, v2;
	v5 =	vmov s17;
	s17 =	simm.s32 $0x1C270  }
0x234: {  	v10 =	vmov s24;
	[tilespmem:s15+$0xFFFFFF90] =	vst v6;
	v6 =	vsel vm7, $0x3F800000, v0;
	v5 =	vand.u32 $0xFFFFFFFE, v5;
	v9 =	vld [tilespmem:s17+$0xFFFFFF80]  }
0x235: {  	vm8 =	veq.s32 v8, v3;
	[tilespmem:s0+$0xFFFFFFB0] =	vst v6;
	v6 =	vbroadcast v5, $0x0;
	v11 =	vld [tilespmem:s16+$0xFFFFFFA0]  }
0x236: {  	v5 =	vsel vm8, $0x3F800000, v0;
	v8 =	vld [tilespmem:s14+$0xFFFFFFC0]  }
0x237: {  	vm9 =	veq.s32 v7, v1;
	v7 =	vld [tilespmem:s17+$0x0];
	[tilespmem:s15+$0x10] =	vst v5  }
0x238: {  	v5 =	vsel vm9, $0x3F800000, v0;
	v12 =	vld [tilespmem:s16+$0x20]  }
0x239: {  	[tilespmem:s0+$0x30] =	vst v5;
	v5 =	vld.idx.msk [tilespmem:v10+s19+$0x0], $0xffff  }
0x23a: {  	v13 =	vld [tilespmem:s14+$0x40]  }
0x23b: {  	v6 =	vld.idx.msk [tilespmem:v6+s19+$0x0], $0xffff  }
0x23c: {  	v9 =	vld.idx.msk [tilespmem:v9+s21+$0x0], $0xffff  }
0x23d: {  	v10 =	vld.idx.msk [tilespmem:v11+s21+$0x0], $0xffff  }
0x23e: {  	v8 =	vld.idx.msk [tilespmem:v8+s21+$0x0], $0xffff;
	_ =	sdelay $0x1  }
0x23f: {  	v7 =	vld.idx.msk [tilespmem:v7+s21+$0x0], $0xffff  }
0x240: {  	v11 =	vld.idx.msk [tilespmem:v12+s21+$0x0], $0xffff;
	vm10 =	veq.s32 v9, v6  }
0x241: {  	s2 =	simm.s32 $0x1E270;
	v9 =	vld.idx.msk [tilespmem:v13+s21+$0x0], $0xffff;
	v12 =	vsel vm10, $0x3F800000, v0;
	vm11 =	veq.s32 v10, v4  }
0x242: {  	[tilespmem:s2+$0xFFFFFF80] =	vst v12;
	v10 =	vsel vm11, $0x3F800000, v0;
	vm12 =	veq.s32 v8, v2  }
0x243: {  	v8 =	vld [tilespmem:s17+$0xFFFFFF90];
	[tilespmem:s15+$0xFFFFFFA0] =	vst v10;
	v10 =	vsel vm12, $0x3F800000, v0  }
0x244: {  	vm13 =	veq.s32 v7, v5;
	v7 =	vld [tilespmem:s16+$0xFFFFFFB0];
	[tilespmem:s0+$0xFFFFFFC0] =	vst v10  }
0x245: {  	vm14 =	veq.s32 v11, v3;
	v10 =	vsel vm13, $0x3F800000, v0;
	v11 =	vld [tilespmem:s14+$0xFFFFFFD0]  }
0x246: {  	[tilespmem:s2+$0x0] =	vst v10;
	v10 =	vsel vm14, $0x3F800000, v0;
	vm15 =	veq.s32 v9, v1  }
0x247: {  	v9 =	vld [tilespmem:s17+$0x10];
	[tilespmem:s15+$0x20] =	vst v10;
	v10 =	vsel vm15, $0x3F800000, v0  }
0x248: {  	v12 =	vld [tilespmem:s16+$0x30];
	[tilespmem:s0+$0x40] =	vst v10  }
0x249: {  	v10 =	vld [tilespmem:s14+$0x50];
	_ =	sdelay $0x1  }
0x24a: {  	v8 =	vld.idx.msk [tilespmem:v8+s21+$0x0], $0xffff  }
0x24b: {  	s4 =	simm.s32 $0x47;
	v13 =	vld.idx.msk [tilespmem:v7+s21+$0x0], $0xffff  }
0x24c: {  	v7 =	vmov s4;
	s4 =	simm.s32 $0x1C370;
	v11 =	vld.idx.msk [tilespmem:v11+s21+$0x0], $0xffff  }
0x24d: {  	v15 =	vld [tilespmem:s4+$0x0]  }
0x24e: {  	v9 =	vld.idx.msk [tilespmem:v9+s21+$0x0], $0xffff  }
0x24f: {  	s26 =	simm.s32 $0x46;
	v12 =	vld.idx.msk [tilespmem:v12+s21+$0x0], $0xffff;
	vm4 =	veq.s32 v8, v6  }
0x250: {  	v10 =	vld.idx.msk [tilespmem:v10+s21+$0x0], $0xffff;
	v8 =	vsel vm4, $0x3F800000, v0;
	vm5 =	veq.s32 v13, v4;
	v13 =	vmov s26  }
0x251: {  	[tilespmem:s2+$0xFFFFFF90] =	vst v8;
	v8 =	vsel vm5, $0x3F800000, v0;
	vm6 =	veq.s32 v11, v2;
	v11 =	vand.u32 $0xFFFFFFFE, v13;
	v13 =	vld [tilespmem:s4+$0xFFFFFF80]  }
0x252: {  	[tilespmem:s15+$0xFFFFFFB0] =	vst v8;
	v8 =	vsel vm6, $0x3F800000, v0;
	v11 =	vbroadcast v11, $0x0;
	v14 =	vld [tilespmem:s17+$0xFFFFFFA0]  }
0x253: {  	vm7 =	veq.s32 v9, v5;
	[tilespmem:s0+$0xFFFFFFD0] =	vst v8;
	v9 =	vld [tilespmem:s16+$0xFFFFFFC0]  }
0x254: {  	v8 =	vsel vm7, $0x3F800000, v0;
	vm8 =	veq.s32 v12, v3;
	v12 =	vld [tilespmem:s14+$0xFFFFFFE0]  }
0x255: {  	v7 =	vld.idx.msk [tilespmem:v7+s19+$0x0], $0xffff;
	[tilespmem:s2+$0x10] =	vst v8;
	v8 =	vsel vm8, $0x3F800000, v0  }
0x256: {  	[tilespmem:s15+$0x30] =	vst v8;
	v16 =	vld [tilespmem:s17+$0x20]  }
0x257: {  	v17 =	vld [tilespmem:s16+$0x40]  }
0x258: {  	v8 =	vld.idx.msk [tilespmem:v11+s19+$0x0], $0xffff  }
0x259: {  	v11 =	vld.idx.msk [tilespmem:v13+s21+$0x0], $0xffff  }
0x25a: {  	v13 =	vld.idx.msk [tilespmem:v14+s21+$0x0], $0xffff  }
0x25b: {  	v9 =	vld.idx.msk [tilespmem:v9+s21+$0x0], $0xffff  }
0x25c: {  	v12 =	vld.idx.msk [tilespmem:v12+s21+$0x0], $0xffff  }
0x25d: {  	vm9 =	veq.s32 v10, v1;
	v10 =	vld.idx.msk [tilespmem:v15+s21+$0x0], $0xffff  }
0x25e: {  	v14 =	vsel vm9, $0x3F800000, v0;
	v15 =	vld.idx.msk [tilespmem:v16+s21+$0x0], $0xffff;
	vm10 =	veq.s32 v11, v8  }
0x25f: {  	s5 =	simm.s32 $0x1E370;
	[tilespmem:s0+$0x50] =	vst v14;
	v14 =	vld.idx.msk [tilespmem:v17+s21+$0x0], $0xffff;
	v11 =	vsel vm10, $0x3F800000, v0;
	vm11 =	veq.s32 v13, v6  }
0x260: {  	v16 =	vld [tilespmem:s14+$0x60];
	[tilespmem:s5+$0xFFFFFF80] =	vst v11;
	v11 =	vsel vm11, $0x3F800000, v0;
	vm12 =	veq.s32 v9, v4  }
0x261: {  	v17 =	vld [tilespmem:s4+$0xFFFFFF90];
	[tilespmem:s2+$0xFFFFFFA0] =	vst v11;
	v9 =	vsel vm12, $0x3F800000, v0;
	vm13 =	veq.s32 v12, v2  }
0x262: {  	vm1 =	veq.s32 v10, v7;
	v13 =	vld [tilespmem:s17+$0xFFFFFFB0];
	[tilespmem:s15+$0xFFFFFFC0] =	vst v9;
	v9 =	vsel vm13, $0x3F800000, v0  }
0x263: {  	v10 =	vsel vm1, $0x3F800000, v0;
	vm14 =	veq.s32 v15, v5;
	v11 =	vld [tilespmem:s16+$0xFFFFFFD0];
	[tilespmem:s0+$0xFFFFFFE0] =	vst v9  }
0x264: {  	[tilespmem:s5+$0x0] =	vst v10;
	v10 =	vsel vm14, $0x3F800000, v0;
	vm15 =	veq.s32 v14, v3;
	v9 =	vld [tilespmem:s14+$0xFFFFFFF0]  }
0x265: {  	v15 =	vld [tilespmem:s4+$0x10];
	[tilespmem:s2+$0x20] =	vst v10;
	v10 =	vsel vm15, $0x3F800000, v0  }
0x266: {  	v14 =	vld [tilespmem:s17+$0x30];
	[tilespmem:s15+$0x40] =	vst v10  }
0x267: {  	v12 =	vld [tilespmem:s16+$0x50]  }
0x268: {  	v10 =	vld.idx.msk [tilespmem:v16+s21+$0x0], $0xffff  }
0x269: {  	s6 =	simm.s32 $0x6;
	s24 =	simm.s32 $0x1E370;
	s26 =	simm.s32 $0x1C370;
	v16 =	vld.idx.msk [tilespmem:v17+s21+$0x0], $0xffff  }
.LBB2_6:
0x26a: {  	s7 =	sadd.s32 $0x43, s6;
	v13 =	vld.idx.msk [tilespmem:v13+s21+$0x0], $0xffff  }
0x26b: {  	v17 =	vmov s7;
	v11 =	vld.idx.msk [tilespmem:v11+s21+$0x0], $0xffff  }
0x26c: {  	v9 =	vld.idx.msk [tilespmem:v9+s21+$0x0], $0xffff  }
0x26d: {  	v15 =	vld.idx.msk [tilespmem:v15+s21+$0x0], $0xffff  }
0x26e: {  	vm0 =	veq.s32 v10, v1;
	v14 =	vld.idx.msk [tilespmem:v14+s21+$0x0], $0xffff  }
0x26f: {  	vm1 =	veq.s32 v16, v8;
	v10 =	vld.idx.msk [tilespmem:v12+s21+$0x0], $0xffff;
	v12 =	vsel vm0, $0x3F800000, v0  }
0x270: {  	s7 =	sadd.s32 $0x42, s6;
	vm0 =	veq.s32 v13, v6;
	v16 =	vld.idx.msk [tilespmem:v17+s19+$0x0], $0xffff;
	v17 =	vsel vm1, $0x3F800000, v0;
	[tilespmem:s0+$0x60] =	vst v12  }
0x271: {  	s4 =	sadd.s32 $0x100, s4;
	v12 =	vmov s7;
	v13 =	vsel vm0, $0x3F800000, v0;
	vm0 =	veq.s32 v11, v4;
	[tilespmem:s5+$0xFFFFFF90] =	vst v17;
	v11 =	vld [tilespmem:s14+$0x70];
	s14 =	smov.u32 s16;
	s16 =	smov.u32 s17  }
0x272: {  	v12 =	vand.u32 $0xFFFFFFFE, v12;
	s17 =	smov.u32 s26;
	s26 =	smov.u32 s4;
	v17 =	vld [tilespmem:s4+$0xFFFFFF80];
	[tilespmem:s2+$0xFFFFFFB0] =	vst v13;
	v13 =	vsel vm0, $0x3F800000, v0;
	vm0 =	veq.s32 v9, v2;
	v2 =	vmovc v4;
	v4 =	vmovc v6  }
0x273: {  	v9 =	vbroadcast v12, $0x0;
	vm1 =	veq.s32 v15, v7;
	v6 =	vmovc v8;
	v12 =	vld [tilespmem:s17+$0xFFFFFFA0];
	[tilespmem:s15+$0xFFFFFFD0] =	vst v13;
	v13 =	vsel vm0, $0x3F800000, v0  }
0x274: {  	s6 =	sadd.s32 $0x2, s6;
	v8 =	vsel vm1, $0x3F800000, v0;
	vm0 =	veq.s32 v14, v5;
	v15 =	vld [tilespmem:s16+$0xFFFFFFC0];
	[tilespmem:s0+$0xFFFFFFF0] =	vst v13  }
0x275: {  	p1 =	slt.u32 s6, $0x1E;
	[tilespmem:s5+$0x10] =	vst v8;
	v8 =	vsel vm0, $0x3F800000, v0;
	v13 =	vld [tilespmem:s14+$0xFFFFFFE0];
	vm0 =	veq.s32 v10, v3  }
0x276: {  	v10 =	vld [tilespmem:s4+$0x0];
	[tilespmem:s2+$0x30] =	vst v8;
	v8 =	vsel vm0, $0x3F800000, v0  }
0x277: {  	v14 =	vld [tilespmem:s17+$0x20];
	[tilespmem:s15+$0x50] =	vst v8  }
0x278: {  	v18 =	vld [tilespmem:s16+$0x40]  }
0x279: {  	v8 =	vld.idx.msk [tilespmem:v9+s19+$0x0], $0xffff  }
0x27a: {  	v9 =	vld.idx.msk [tilespmem:v17+s21+$0x0], $0xffff  }
0x27b: {  	v12 =	vld.idx.msk [tilespmem:v12+s21+$0x0], $0xffff  }
0x27c: {  	v15 =	vld.idx.msk [tilespmem:v15+s21+$0x0], $0xffff  }
0x27d: {  	v13 =	vld.idx.msk [tilespmem:v13+s21+$0x0], $0xffff  }
0x27e: {  	v10 =	vld.idx.msk [tilespmem:v10+s21+$0x0], $0xffff  }
0x27f: {  	v14 =	vld.idx.msk [tilespmem:v14+s21+$0x0], $0xffff  }
0x280: {  	vm0 =	veq.s32 v9, v8;
	v9 =	vld.idx.msk [tilespmem:v18+s21+$0x0], $0xffff  }
0x281: {  	s5 =	sadd.s32 $0x100, s5;
	v17 =	vsel vm0, $0x3F800000, v0;
	vm0 =	veq.s32 v12, v6;
	v18 =	vld [tilespmem:s14+$0x60]  }
0x282: {  	v12 =	vsel vm0, $0x3F800000, v0;
	vm0 =	veq.s32 v15, v4;
	[tilespmem:s5+$0xFFFFFF80] =	vst v17;
	v17 =	vld.idx.msk [tilespmem:v11+s21+$0x0], $0xffff  }
0x283: {  	v11 =	vsel vm0, $0x3F800000, v0;
	vm0 =	veq.s32 v13, v2;
	v19 =	vld [tilespmem:s4+$0xFFFFFF90];
	[tilespmem:s24+$0xFFFFFFA0] =	vst v12  }
0x284: {  	vm1 =	veq.s32 v10, v16;
	v10 =	vsel vm0, $0x3F800000, v0;
	v13 =	vld [tilespmem:s17+$0xFFFFFFB0];
	[tilespmem:s2+$0xFFFFFFC0] =	vst v11  }
0x285: {  	v12 =	vsel vm1, $0x3F800000, v0;
	vm0 =	veq.s32 v14, v7;
	v11 =	vld [tilespmem:s16+$0xFFFFFFD0];
	[tilespmem:s15+$0xFFFFFFE0] =	vst v10  }
0x286: {  	v10 =	vsel vm0, $0x3F800000, v0;
	vm0 =	veq.s32 v9, v5;
	[tilespmem:s5+$0x0] =	vst v12;
	v9 =	vld [tilespmem:s14+$0xFFFFFFF0]  }
.Ltmp2:
0x287: {  	v15 =	vld [tilespmem:s4+$0x10];
	[tilespmem:s24+$0x20] =	vst v10;
	v10 =	vsel vm0, $0x3F800000, v0;
	(pc) =	sbr.rel @p1 .LBB2_6-.Ltmp2, $4  }
0x288: {  	vm0 =	veq.s32 v17, v1;
	v1 =	vmovc v3;
	v3 =	vmovc v5;
	v5 =	vmov v7;
	v7 =	vmov v16;
	v14 =	vld [tilespmem:s17+$0x30];
	[tilespmem:s2+$0x40] =	vst v10  }
0x289: {  	v16 =	vsel vm0, $0x3F800000, v0;
	v12 =	vld [tilespmem:s16+$0x50]  }
0x28a: {  	v10 =	vld.idx.msk [tilespmem:v18+s21+$0x0], $0xffff;
	[tilespmem:s0+$0x70] =	vst v16;
	s0 =	smov.u32 s15;
	s15 =	smov.u32 s2;
	s2 =	smov.u32 s24  }
0x28b: {  	s24 =	smov.u32 s5;
	v16 =	vld.idx.msk [tilespmem:v19+s21+$0x0], $0xffff  }
0x28c: {  	_ =	sdelay $0x3  }
0x28d: {  	v15 =	vld.idx.msk [tilespmem:v15+s21+$0x0], $0xffff;
	_ =	sdelay $0x3  }
0x28e: {  	vm0 =	veq.s32 v16, v8  }
0x28f: {  	v16 =	vsel vm0, $0x3F800000, v0;
	vm14 =	veq.s32 v15, v7  }
0x290: {  	[tilespmem:s5+$0xFFFFFF90] =	vst v16;
	v15 =	vsel vm14, $0x3F800000, v0  }
0x291: {  	v16 =	vld [tilespmem:s26+$0xFFFFFFA0];
	[tilespmem:s5+$0x10] =	vst v15  }
0x292: {  	v15 =	vld [tilespmem:s26+$0x20];
	_ =	sdelay $0x6  }
0x293: {  	v16 =	vld.idx.msk [tilespmem:v16+s21+$0x0], $0xffff  }
0x294: {  	v15 =	vld.idx.msk [tilespmem:v15+s21+$0x0], $0xffff;
	_ =	sdelay $0x3  }
0x295: {  	vm15 =	veq.s32 v16, v8  }
0x296: {  	v16 =	vsel vm15, $0x3F800000, v0;
	vm4 =	veq.s32 v15, v7  }
0x297: {  	[tilespmem:s24+$0xFFFFFFA0] =	vst v16;
	v15 =	vsel vm4, $0x3F800000, v0  }
0x298: {  	v16 =	vld [tilespmem:s26+$0xFFFFFFB0];
	[tilespmem:s24+$0x20] =	vst v15  }
0x299: {  	v15 =	vld [tilespmem:s26+$0x30];
	_ =	sdelay $0x4  }
0x29a: {  	v13 =	vld.idx.msk [tilespmem:v13+s21+$0x0], $0xffff  }
0x29b: {  	v14 =	vld.idx.msk [tilespmem:v14+s21+$0x0], $0xffff  }
0x29c: {  	v16 =	vld.idx.msk [tilespmem:v16+s21+$0x0], $0xffff  }
0x29d: {  	v15 =	vld.idx.msk [tilespmem:v15+s21+$0x0], $0xffff;
	_ =	sdelay $0x1  }
0x29e: {  	vm5 =	veq.s32 v13, v6  }
0x29f: {  	v13 =	vsel vm5, $0x3F800000, v0;
	vm6 =	veq.s32 v14, v5  }
0x2a0: {  	[tilespmem:s2+$0xFFFFFFB0] =	vst v13;
	v13 =	vsel vm6, $0x3F800000, v0;
	vm7 =	veq.s32 v16, v8  }
0x2a1: {  	v14 =	vld [tilespmem:s17+$0xFFFFFFC0];
	[tilespmem:s2+$0x30] =	vst v13;
	v13 =	vsel vm7, $0x3F800000, v0;
	vm8 =	veq.s32 v15, v7  }
0x2a2: {  	v15 =	vld [tilespmem:s17+$0x40];
	[tilespmem:s24+$0xFFFFFFB0] =	vst v13;
	v13 =	vsel vm8, $0x3F800000, v0  }
0x2a3: {  	v16 =	vld [tilespmem:s26+$0xFFFFFFC0];
	[tilespmem:s24+$0x30] =	vst v13  }
0x2a4: {  	v13 =	vld [tilespmem:s26+$0x40];
	_ =	sdelay $0x4  }
0x2a5: {  	v14 =	vld.idx.msk [tilespmem:v14+s21+$0x0], $0xffff  }
0x2a6: {  	v15 =	vld.idx.msk [tilespmem:v15+s21+$0x0], $0xffff  }
0x2a7: {  	v16 =	vld.idx.msk [tilespmem:v16+s21+$0x0], $0xffff  }
0x2a8: {  	v13 =	vld.idx.msk [tilespmem:v13+s21+$0x0], $0xffff;
	_ =	sdelay $0x1  }
0x2a9: {  	vm9 =	veq.s32 v14, v6  }
0x2aa: {  	v14 =	vsel vm9, $0x3F800000, v0;
	vm10 =	veq.s32 v15, v5  }
0x2ab: {  	[tilespmem:s2+$0xFFFFFFC0] =	vst v14;
	v14 =	vsel vm10, $0x3F800000, v0;
	vm11 =	veq.s32 v16, v8  }
0x2ac: {  	v15 =	vld [tilespmem:s17+$0xFFFFFFD0];
	[tilespmem:s2+$0x40] =	vst v14;
	v14 =	vsel vm11, $0x3F800000, v0;
	vm12 =	veq.s32 v13, v7  }
0x2ad: {  	v13 =	vld [tilespmem:s17+$0x50];
	[tilespmem:s24+$0xFFFFFFC0] =	vst v14;
	v14 =	vsel vm12, $0x3F800000, v0  }
0x2ae: {  	v16 =	vld [tilespmem:s26+$0xFFFFFFD0];
	[tilespmem:s24+$0x40] =	vst v14  }
0x2af: {  	v14 =	vld [tilespmem:s26+$0x50];
	_ =	sdelay $0x2  }
0x2b0: {  	v11 =	vld.idx.msk [tilespmem:v11+s21+$0x0], $0xffff  }
0x2b1: {  	v12 =	vld.idx.msk [tilespmem:v12+s21+$0x0], $0xffff  }
0x2b2: {  	v15 =	vld.idx.msk [tilespmem:v15+s21+$0x0], $0xffff  }
0x2b3: {  	v13 =	vld.idx.msk [tilespmem:v13+s21+$0x0], $0xffff  }
0x2b4: {  	v16 =	vld.idx.msk [tilespmem:v16+s21+$0x0], $0xffff  }
0x2b5: {  	vm13 =	veq.s32 v11, v4;
	v11 =	vld.idx.msk [tilespmem:v14+s21+$0x0], $0xffff  }
0x2b6: {  	vm14 =	veq.s32 v12, v3;
	v14 =	vsel vm13, $0x3F800000, v0  }
0x2b7: {  	v12 =	vsel vm14, $0x3F800000, v0;
	vm15 =	veq.s32 v15, v6;
	[tilespmem:s15+$0xFFFFFFD0] =	vst v14  }
0x2b8: {  	[tilespmem:s15+$0x50] =	vst v12;
	v12 =	vsel vm15, $0x3F800000, v0;
	v14 =	vld [tilespmem:s16+$0xFFFFFFE0];
	vm4 =	veq.s32 v13, v5  }
0x2b9: {  	[tilespmem:s2+$0xFFFFFFD0] =	vst v12;
	v13 =	vld [tilespmem:s16+$0x60];
	v12 =	vsel vm4, $0x3F800000, v0;
	vm5 =	veq.s32 v16, v8  }
0x2ba: {  	v15 =	vld [tilespmem:s17+$0xFFFFFFE0];
	[tilespmem:s2+$0x50] =	vst v12;
	v12 =	vsel vm5, $0x3F800000, v0;
	vm6 =	veq.s32 v11, v7  }
0x2bb: {  	v11 =	vld [tilespmem:s17+$0x60];
	[tilespmem:s24+$0xFFFFFFD0] =	vst v12;
	v12 =	vsel vm6, $0x3F800000, v0  }
0x2bc: {  	v16 =	vld [tilespmem:s26+$0xFFFFFFE0];
	[tilespmem:s24+$0x50] =	vst v12  }
0x2bd: {  	v12 =	vld [tilespmem:s26+$0x60];
	_ =	sdelay $0x2  }
0x2be: {  	v14 =	vld.idx.msk [tilespmem:v14+s21+$0x0], $0xffff  }
0x2bf: {  	v13 =	vld.idx.msk [tilespmem:v13+s21+$0x0], $0xffff  }
0x2c0: {  	v15 =	vld.idx.msk [tilespmem:v15+s21+$0x0], $0xffff  }
0x2c1: {  	v11 =	vld.idx.msk [tilespmem:v11+s21+$0x0], $0xffff  }
0x2c2: {  	vm7 =	veq.s32 v10, v1;
	v10 =	vld.idx.msk [tilespmem:v16+s21+$0x0], $0xffff  }
0x2c3: {  	v16 =	vsel vm7, $0x3F800000, v0;
	vm8 =	veq.s32 v14, v4;
	v12 =	vld.idx.msk [tilespmem:v12+s21+$0x0], $0xffff  }
0x2c4: {  	vm9 =	veq.s32 v13, v3;
	[tilespmem:s0+$0x60] =	vst v16;
	v14 =	vsel vm8, $0x3F800000, v0  }
0x2c5: {  	vm10 =	veq.s32 v15, v6;
	v13 =	vld [tilespmem:s14+$0x70];
	[tilespmem:s15+$0xFFFFFFE0] =	vst v14;
	v14 =	vsel vm9, $0x3F800000, v0  }
0x2c6: {  	v15 =	vld [tilespmem:s16+$0xFFFFFFF0];
	[tilespmem:s15+$0x60] =	vst v14;
	v14 =	vsel vm10, $0x3F800000, v0;
	vm11 =	veq.s32 v11, v5  }
0x2c7: {  	v11 =	vld [tilespmem:s16+$0x70];
	[tilespmem:s2+$0xFFFFFFE0] =	vst v14;
	v14 =	vsel vm11, $0x3F800000, v0;
	vm12 =	veq.s32 v10, v8  }
0x2c8: {  	v10 =	vld [tilespmem:s17+$0xFFFFFFF0];
	[tilespmem:s2+$0x60] =	vst v14;
	v14 =	vsel vm12, $0x3F800000, v0;
	vm13 =	veq.s32 v12, v7  }
0x2c9: {  	v12 =	vld [tilespmem:s17+$0x70];
	[tilespmem:s24+$0xFFFFFFE0] =	vst v14;
	v14 =	vsel vm13, $0x3F800000, v0  }
0x2ca: {  	v16 =	vld [tilespmem:s26+$0xFFFFFFF0];
	[tilespmem:s24+$0x60] =	vst v14  }
0x2cb: {  	v14 =	vld [tilespmem:s26+$0x70]  }
0x2cc: {  	v9 =	vld.idx.msk [tilespmem:v9+s21+$0x0], $0xffff  }
0x2cd: {  	v13 =	vld.idx.msk [tilespmem:v13+s21+$0x0], $0xffff  }
0x2ce: {  	v15 =	vld.idx.msk [tilespmem:v15+s21+$0x0], $0xffff  }
0x2cf: {  	v11 =	vld.idx.msk [tilespmem:v11+s21+$0x0], $0xffff  }
0x2d0: {  	v10 =	vld.idx.msk [tilespmem:v10+s21+$0x0], $0xffff  }
0x2d1: {  	vm14 =	veq.s32 v9, v2;
	v2 =	vld.idx.msk [tilespmem:v12+s21+$0x0], $0xffff  }
0x2d2: {  	v9 =	vsel vm14, $0x3F800000, v0;
	vm15 =	veq.s32 v13, v1;
	v1 =	vld.idx.msk [tilespmem:v16+s21+$0x0], $0xffff  }
0x2d3: {  	[tilespmem:s0+$0xFFFFFFF0] =	vst v9;
	v9 =	vsel vm15, $0x3F800000, v0;
	vm4 =	veq.s32 v15, v4;
	v4 =	vld.idx.msk [tilespmem:v14+s21+$0x0], $0xffff  }
0x2d4: {  	[tilespmem:s0+$0x70] =	vst v9;
	v9 =	vsel vm4, $0x3F800000, v0;
	vm5 =	veq.s32 v11, v3  }
0x2d5: {  	[tilespmem:s15+$0xFFFFFFF0] =	vst v9;
	v3 =	vsel vm5, $0x3F800000, v0;
	vm6 =	veq.s32 v10, v6  }
0x2d6: {  	[tilespmem:s15+$0x70] =	vst v3;
	v3 =	vsel vm6, $0x3F800000, v0;
	vm7 =	veq.s32 v2, v5  }
0x2d7: {  	[tilespmem:s2+$0xFFFFFFF0] =	vst v3;
	v2 =	vsel vm7, $0x3F800000, v0;
	vm8 =	veq.s32 v1, v8  }
0x2d8: {  	[tilespmem:s2+$0x70] =	vst v2;
	v1 =	vsel vm8, $0x3F800000, v0;
	vm9 =	veq.s32 v4, v7  }
0x2d9: {  	[tilespmem:s24+$0xFFFFFFF0] =	vst v1;
	v1 =	vsel vm9, $0x3F800000, v0  }
0x2da: {  	s4 =	simm.s32 $0x1DFF0;
	[tilespmem:s24+$0x70] =	vst v1  }
0x2db: {  	[hbm4b:s11+s3] =	stream.linear.scatter [tilespmem:s4], [sflag:$0x6], $0x1000, $0x38;
	v63 =	vld [tilespmem:$0x0]  }
0x2dc: {  	_ =	swait.ge [sflag:s30], $0x1000  }
0x2dd: {  	[sflag:s30] =	ssyncset.done $0x0  }
0x2de: {  	[sflag:s30] =	ssyncadd.s32 $0xFFFFF000  }
0x2df: {  	_ =	swait.ge [sflag:s31], $0x1000  }
0x2e0: {  	s5 =	simm.s32 $0x60;
	[sflag:s31] =	ssyncset.done $0x0  }
0x2e1: {  	s14 =	simm.s32 $0x1D070;
	v1 =	vmov s5;
	[sflag:s31] =	ssyncadd.s32 $0xFFFFF000  }
0x2e2: {  	v1 =	vand.u32 $0xFFFFFFFE, v1;
	v3 =	vld [tilespmem:s14+$0xFFFFFF80]  }
0x2e3: {  	v1 =	vbroadcast v1, $0x0;
	_ =	sdelay $0x2  }
0x2e4: {  	v4 =	vld [tilespmem:s14+$0x0]  }
0x2e5: {  	s6 =	simm.s32 $0x61  }
0x2e6: {  	v5 =	vmov s6  }
0x2e7: {  	v2 =	vld.idx.msk [tilespmem:v1+s19+$0x0], $0xffff  }
0x2e8: {  	v3 =	vld.idx.msk [tilespmem:v3+s21+$0x0], $0xffff;
	_ =	sdelay $0x2  }
0x2e9: {  	v1 =	vld.idx.msk [tilespmem:v5+s19+$0x0], $0xffff  }
0x2ea: {  	v4 =	vld.idx.msk [tilespmem:v4+s21+$0x0], $0xffff  }
0x2eb: {  	vm10 =	veq.s32 v3, v2  }
0x2ec: {  	s0 =	simm.s32 $0x1F070;
	v3 =	vsel vm10, $0x3F800000, v0  }
0x2ed: {  	[tilespmem:s0+$0xFFFFFF80] =	vst v3  }
0x2ee: {  	v3 =	vld [tilespmem:s14+$0xFFFFFF90]  }
0x2ef: {  	vm11 =	veq.s32 v4, v1  }
0x2f0: {  	v4 =	vsel vm11, $0x3F800000, v0  }
0x2f1: {  	[tilespmem:s0+$0x0] =	vst v4  }
0x2f2: {  	v4 =	vld [tilespmem:s14+$0x10];
	_ =	sdelay $0x3  }
0x2f3: {  	v3 =	vld.idx.msk [tilespmem:v3+s21+$0x0], $0xffff;
	_ =	sdelay $0x3  }
0x2f4: {  	v4 =	vld.idx.msk [tilespmem:v4+s21+$0x0], $0xffff  }
0x2f5: {  	s7 =	simm.s32 $0x62;
	vm12 =	veq.s32 v3, v2  }
0x2f6: {  	s16 =	simm.s32 $0x1D170;
	v5 =	vmov s7;
	v3 =	vsel vm12, $0x3F800000, v0  }
0x2f7: {  	[tilespmem:s0+$0xFFFFFF90] =	vst v3;
	v3 =	vand.u32 $0xFFFFFFFE, v5;
	v5 =	vld [tilespmem:s16+$0xFFFFFF80]  }
0x2f8: {  	v3 =	vbroadcast v3, $0x0;
	v6 =	vld [tilespmem:s14+$0xFFFFFFA0]  }
0x2f9: {  	v7 =	vld [tilespmem:s16+$0x0];
	vm13 =	veq.s32 v4, v1  }
0x2fa: {  	v4 =	vsel vm13, $0x3F800000, v0  }
0x2fb: {  	[tilespmem:s0+$0x10] =	vst v4  }
0x2fc: {  	s15 =	simm.s32 $0x63;
	v8 =	vld [tilespmem:s14+$0x20]  }
0x2fd: {  	v9 =	vmov s15  }
0x2fe: {  	v4 =	vld.idx.msk [tilespmem:v3+s19+$0x0], $0xffff  }
0x2ff: {  	v5 =	vld.idx.msk [tilespmem:v5+s21+$0x0], $0xffff  }
0x300: {  	v6 =	vld.idx.msk [tilespmem:v6+s21+$0x0], $0xffff  }
0x301: {  	v7 =	vld.idx.msk [tilespmem:v7+s21+$0x0], $0xffff  }
0x302: {  	v3 =	vld.idx.msk [tilespmem:v9+s19+$0x0], $0xffff;
	_ =	sdelay $0x1  }
0x303: {  	v8 =	vld.idx.msk [tilespmem:v8+s21+$0x0], $0xffff;
	vm14 =	veq.s32 v5, v4  }
0x304: {  	s15 =	simm.s32 $0x1F170;
	v5 =	vsel vm14, $0x3F800000, v0;
	vm15 =	veq.s32 v6, v2  }
0x305: {  	[tilespmem:s15+$0xFFFFFF80] =	vst v5;
	v5 =	vsel vm15, $0x3F800000, v0  }
0x306: {  	vm4 =	veq.s32 v7, v3;
	v6 =	vld [tilespmem:s16+$0xFFFFFF90];
	[tilespmem:s0+$0xFFFFFFA0] =	vst v5  }
0x307: {  	v7 =	vsel vm4, $0x3F800000, v0;
	v5 =	vld [tilespmem:s14+$0xFFFFFFB0]  }
0x308: {  	vm5 =	veq.s32 v8, v1;
	[tilespmem:s15+$0x0] =	vst v7  }
0x309: {  	v7 =	vsel vm5, $0x3F800000, v0;
	v8 =	vld [tilespmem:s16+$0x10]  }
0x30a: {  	[tilespmem:s0+$0x20] =	vst v7  }
0x30b: {  	v7 =	vld [tilespmem:s14+$0x30];
	_ =	sdelay $0x2  }
0x30c: {  	v6 =	vld.idx.msk [tilespmem:v6+s21+$0x0], $0xffff  }
0x30d: {  	v5 =	vld.idx.msk [tilespmem:v5+s21+$0x0], $0xffff;
	_ =	sdelay $0x1  }
0x30e: {  	v8 =	vld.idx.msk [tilespmem:v8+s21+$0x0], $0xffff;
	_ =	sdelay $0x1  }
0x30f: {  	s17 =	simm.s32 $0x64;
	v7 =	vld.idx.msk [tilespmem:v7+s21+$0x0], $0xffff;
	vm6 =	veq.s32 v6, v4  }
0x310: {  	s24 =	simm.s32 $0x65;
	v6 =	vsel vm6, $0x3F800000, v0;
	vm7 =	veq.s32 v5, v2;
	v5 =	vmov s17;
	s17 =	simm.s32 $0x1D270  }
0x311: {  	v10 =	vmov s24;
	[tilespmem:s15+$0xFFFFFF90] =	vst v6;
	v6 =	vsel vm7, $0x3F800000, v0;
	v5 =	vand.u32 $0xFFFFFFFE, v5;
	v9 =	vld [tilespmem:s17+$0xFFFFFF80]  }
0x312: {  	vm8 =	veq.s32 v8, v3;
	[tilespmem:s0+$0xFFFFFFB0] =	vst v6;
	v6 =	vbroadcast v5, $0x0;
	v11 =	vld [tilespmem:s16+$0xFFFFFFA0]  }
0x313: {  	v5 =	vsel vm8, $0x3F800000, v0;
	v8 =	vld [tilespmem:s14+$0xFFFFFFC0]  }
0x314: {  	vm9 =	veq.s32 v7, v1;
	v7 =	vld [tilespmem:s17+$0x0];
	[tilespmem:s15+$0x10] =	vst v5  }
0x315: {  	v5 =	vsel vm9, $0x3F800000, v0;
	v12 =	vld [tilespmem:s16+$0x20]  }
0x316: {  	[tilespmem:s0+$0x30] =	vst v5;
	v5 =	vld.idx.msk [tilespmem:v10+s19+$0x0], $0xffff  }
0x317: {  	v13 =	vld [tilespmem:s14+$0x40]  }
0x318: {  	v6 =	vld.idx.msk [tilespmem:v6+s19+$0x0], $0xffff  }
0x319: {  	v9 =	vld.idx.msk [tilespmem:v9+s21+$0x0], $0xffff  }
0x31a: {  	v10 =	vld.idx.msk [tilespmem:v11+s21+$0x0], $0xffff  }
0x31b: {  	v8 =	vld.idx.msk [tilespmem:v8+s21+$0x0], $0xffff;
	_ =	sdelay $0x1  }
0x31c: {  	v7 =	vld.idx.msk [tilespmem:v7+s21+$0x0], $0xffff  }
0x31d: {  	v11 =	vld.idx.msk [tilespmem:v12+s21+$0x0], $0xffff;
	vm10 =	veq.s32 v9, v6  }
0x31e: {  	s2 =	simm.s32 $0x1F270;
	v9 =	vld.idx.msk [tilespmem:v13+s21+$0x0], $0xffff;
	v12 =	vsel vm10, $0x3F800000, v0;
	vm11 =	veq.s32 v10, v4  }
0x31f: {  	[tilespmem:s2+$0xFFFFFF80] =	vst v12;
	v10 =	vsel vm11, $0x3F800000, v0;
	vm12 =	veq.s32 v8, v2  }
0x320: {  	v8 =	vld [tilespmem:s17+$0xFFFFFF90];
	[tilespmem:s15+$0xFFFFFFA0] =	vst v10;
	v10 =	vsel vm12, $0x3F800000, v0  }
0x321: {  	vm13 =	veq.s32 v7, v5;
	v7 =	vld [tilespmem:s16+$0xFFFFFFB0];
	[tilespmem:s0+$0xFFFFFFC0] =	vst v10  }
0x322: {  	vm14 =	veq.s32 v11, v3;
	v10 =	vsel vm13, $0x3F800000, v0;
	v11 =	vld [tilespmem:s14+$0xFFFFFFD0]  }
0x323: {  	[tilespmem:s2+$0x0] =	vst v10;
	v10 =	vsel vm14, $0x3F800000, v0;
	vm15 =	veq.s32 v9, v1  }
0x324: {  	v9 =	vld [tilespmem:s17+$0x10];
	[tilespmem:s15+$0x20] =	vst v10;
	v10 =	vsel vm15, $0x3F800000, v0  }
0x325: {  	v12 =	vld [tilespmem:s16+$0x30];
	[tilespmem:s0+$0x40] =	vst v10  }
0x326: {  	v10 =	vld [tilespmem:s14+$0x50];
	_ =	sdelay $0x1  }
0x327: {  	v8 =	vld.idx.msk [tilespmem:v8+s21+$0x0], $0xffff  }
0x328: {  	s4 =	simm.s32 $0x67;
	v13 =	vld.idx.msk [tilespmem:v7+s21+$0x0], $0xffff  }
0x329: {  	v7 =	vmov s4;
	s4 =	simm.s32 $0x1D370;
	v11 =	vld.idx.msk [tilespmem:v11+s21+$0x0], $0xffff  }
0x32a: {  	v15 =	vld [tilespmem:s4+$0x0]  }
0x32b: {  	v9 =	vld.idx.msk [tilespmem:v9+s21+$0x0], $0xffff  }
0x32c: {  	s26 =	simm.s32 $0x66;
	v12 =	vld.idx.msk [tilespmem:v12+s21+$0x0], $0xffff;
	vm4 =	veq.s32 v8, v6  }
0x32d: {  	v10 =	vld.idx.msk [tilespmem:v10+s21+$0x0], $0xffff;
	v8 =	vsel vm4, $0x3F800000, v0;
	vm5 =	veq.s32 v13, v4;
	v13 =	vmov s26  }
0x32e: {  	[tilespmem:s2+$0xFFFFFF90] =	vst v8;
	v8 =	vsel vm5, $0x3F800000, v0;
	vm6 =	veq.s32 v11, v2;
	v11 =	vand.u32 $0xFFFFFFFE, v13;
	v13 =	vld [tilespmem:s4+$0xFFFFFF80]  }
0x32f: {  	[tilespmem:s15+$0xFFFFFFB0] =	vst v8;
	v8 =	vsel vm6, $0x3F800000, v0;
	v11 =	vbroadcast v11, $0x0;
	v14 =	vld [tilespmem:s17+$0xFFFFFFA0]  }
0x330: {  	vm7 =	veq.s32 v9, v5;
	[tilespmem:s0+$0xFFFFFFD0] =	vst v8;
	v9 =	vld [tilespmem:s16+$0xFFFFFFC0]  }
0x331: {  	v8 =	vsel vm7, $0x3F800000, v0;
	vm8 =	veq.s32 v12, v3;
	v12 =	vld [tilespmem:s14+$0xFFFFFFE0]  }
0x332: {  	v7 =	vld.idx.msk [tilespmem:v7+s19+$0x0], $0xffff;
	[tilespmem:s2+$0x10] =	vst v8;
	v8 =	vsel vm8, $0x3F800000, v0  }
0x333: {  	[tilespmem:s15+$0x30] =	vst v8;
	v16 =	vld [tilespmem:s17+$0x20]  }
0x334: {  	v17 =	vld [tilespmem:s16+$0x40]  }
0x335: {  	v8 =	vld.idx.msk [tilespmem:v11+s19+$0x0], $0xffff  }
0x336: {  	v11 =	vld.idx.msk [tilespmem:v13+s21+$0x0], $0xffff  }
0x337: {  	v13 =	vld.idx.msk [tilespmem:v14+s21+$0x0], $0xffff  }
0x338: {  	v9 =	vld.idx.msk [tilespmem:v9+s21+$0x0], $0xffff  }
0x339: {  	v12 =	vld.idx.msk [tilespmem:v12+s21+$0x0], $0xffff  }
0x33a: {  	vm9 =	veq.s32 v10, v1;
	v10 =	vld.idx.msk [tilespmem:v15+s21+$0x0], $0xffff  }
0x33b: {  	v14 =	vsel vm9, $0x3F800000, v0;
	v15 =	vld.idx.msk [tilespmem:v16+s21+$0x0], $0xffff;
	vm10 =	veq.s32 v11, v8  }
0x33c: {  	s5 =	simm.s32 $0x1F370;
	[tilespmem:s0+$0x50] =	vst v14;
	v14 =	vld.idx.msk [tilespmem:v17+s21+$0x0], $0xffff;
	v11 =	vsel vm10, $0x3F800000, v0;
	vm11 =	veq.s32 v13, v6  }
0x33d: {  	v16 =	vld [tilespmem:s14+$0x60];
	[tilespmem:s5+$0xFFFFFF80] =	vst v11;
	v11 =	vsel vm11, $0x3F800000, v0;
	vm12 =	veq.s32 v9, v4  }
0x33e: {  	v17 =	vld [tilespmem:s4+$0xFFFFFF90];
	[tilespmem:s2+$0xFFFFFFA0] =	vst v11;
	v9 =	vsel vm12, $0x3F800000, v0;
	vm13 =	veq.s32 v12, v2  }
0x33f: {  	vm1 =	veq.s32 v10, v7;
	v13 =	vld [tilespmem:s17+$0xFFFFFFB0];
	[tilespmem:s15+$0xFFFFFFC0] =	vst v9;
	v9 =	vsel vm13, $0x3F800000, v0  }
0x340: {  	v10 =	vsel vm1, $0x3F800000, v0;
	vm14 =	veq.s32 v15, v5;
	v11 =	vld [tilespmem:s16+$0xFFFFFFD0];
	[tilespmem:s0+$0xFFFFFFE0] =	vst v9  }
0x341: {  	[tilespmem:s5+$0x0] =	vst v10;
	v10 =	vsel vm14, $0x3F800000, v0;
	vm15 =	veq.s32 v14, v3;
	v9 =	vld [tilespmem:s14+$0xFFFFFFF0]  }
0x342: {  	v15 =	vld [tilespmem:s4+$0x10];
	[tilespmem:s2+$0x20] =	vst v10;
	v10 =	vsel vm15, $0x3F800000, v0  }
0x343: {  	v14 =	vld [tilespmem:s17+$0x30];
	[tilespmem:s15+$0x40] =	vst v10  }
0x344: {  	v12 =	vld [tilespmem:s16+$0x50]  }
0x345: {  	v10 =	vld.idx.msk [tilespmem:v16+s21+$0x0], $0xffff  }
0x346: {  	s6 =	simm.s32 $0x6;
	s24 =	simm.s32 $0x1F370;
	s26 =	simm.s32 $0x1D370;
	v16 =	vld.idx.msk [tilespmem:v17+s21+$0x0], $0xffff  }
.LBB2_8:
0x347: {  	s7 =	sadd.s32 $0x63, s6;
	v13 =	vld.idx.msk [tilespmem:v13+s21+$0x0], $0xffff  }
0x348: {  	v17 =	vmov s7;
	v11 =	vld.idx.msk [tilespmem:v11+s21+$0x0], $0xffff  }
0x349: {  	v9 =	vld.idx.msk [tilespmem:v9+s21+$0x0], $0xffff  }
0x34a: {  	v15 =	vld.idx.msk [tilespmem:v15+s21+$0x0], $0xffff  }
0x34b: {  	vm0 =	veq.s32 v10, v1;
	v14 =	vld.idx.msk [tilespmem:v14+s21+$0x0], $0xffff  }
0x34c: {  	vm1 =	veq.s32 v16, v8;
	v10 =	vld.idx.msk [tilespmem:v12+s21+$0x0], $0xffff;
	v12 =	vsel vm0, $0x3F800000, v0  }
0x34d: {  	s7 =	sadd.s32 $0x62, s6;
	vm0 =	veq.s32 v13, v6;
	v16 =	vld.idx.msk [tilespmem:v17+s19+$0x0], $0xffff;
	v17 =	vsel vm1, $0x3F800000, v0;
	[tilespmem:s0+$0x60] =	vst v12  }
0x34e: {  	s4 =	sadd.s32 $0x100, s4;
	v12 =	vmov s7;
	v13 =	vsel vm0, $0x3F800000, v0;
	vm0 =	veq.s32 v11, v4;
	[tilespmem:s5+$0xFFFFFF90] =	vst v17;
	v11 =	vld [tilespmem:s14+$0x70];
	s14 =	smov.u32 s16;
	s16 =	smov.u32 s17  }
0x34f: {  	v12 =	vand.u32 $0xFFFFFFFE, v12;
	s17 =	smov.u32 s26;
	s26 =	smov.u32 s4;
	v17 =	vld [tilespmem:s4+$0xFFFFFF80];
	[tilespmem:s2+$0xFFFFFFB0] =	vst v13;
	v13 =	vsel vm0, $0x3F800000, v0;
	vm0 =	veq.s32 v9, v2;
	v2 =	vmovc v4;
	v4 =	vmovc v6  }
0x350: {  	v9 =	vbroadcast v12, $0x0;
	vm1 =	veq.s32 v15, v7;
	v6 =	vmovc v8;
	v12 =	vld [tilespmem:s17+$0xFFFFFFA0];
	[tilespmem:s15+$0xFFFFFFD0] =	vst v13;
	v13 =	vsel vm0, $0x3F800000, v0  }
0x351: {  	s6 =	sadd.s32 $0x2, s6;
	v8 =	vsel vm1, $0x3F800000, v0;
	vm0 =	veq.s32 v14, v5;
	v15 =	vld [tilespmem:s16+$0xFFFFFFC0];
	[tilespmem:s0+$0xFFFFFFF0] =	vst v13  }
0x352: {  	p1 =	slt.u32 s6, $0x1E;
	[tilespmem:s5+$0x10] =	vst v8;
	v8 =	vsel vm0, $0x3F800000, v0;
	v13 =	vld [tilespmem:s14+$0xFFFFFFE0];
	vm0 =	veq.s32 v10, v3  }
0x353: {  	v10 =	vld [tilespmem:s4+$0x0];
	[tilespmem:s2+$0x30] =	vst v8;
	v8 =	vsel vm0, $0x3F800000, v0  }
0x354: {  	v14 =	vld [tilespmem:s17+$0x20];
	[tilespmem:s15+$0x50] =	vst v8  }
0x355: {  	v18 =	vld [tilespmem:s16+$0x40]  }
0x356: {  	v8 =	vld.idx.msk [tilespmem:v9+s19+$0x0], $0xffff  }
0x357: {  	v9 =	vld.idx.msk [tilespmem:v17+s21+$0x0], $0xffff  }
0x358: {  	v12 =	vld.idx.msk [tilespmem:v12+s21+$0x0], $0xffff  }
0x359: {  	v15 =	vld.idx.msk [tilespmem:v15+s21+$0x0], $0xffff  }
0x35a: {  	v13 =	vld.idx.msk [tilespmem:v13+s21+$0x0], $0xffff  }
0x35b: {  	v10 =	vld.idx.msk [tilespmem:v10+s21+$0x0], $0xffff  }
0x35c: {  	v14 =	vld.idx.msk [tilespmem:v14+s21+$0x0], $0xffff  }
0x35d: {  	vm0 =	veq.s32 v9, v8;
	v9 =	vld.idx.msk [tilespmem:v18+s21+$0x0], $0xffff  }
0x35e: {  	s5 =	sadd.s32 $0x100, s5;
	v17 =	vsel vm0, $0x3F800000, v0;
	vm0 =	veq.s32 v12, v6;
	v18 =	vld [tilespmem:s14+$0x60]  }
0x35f: {  	v12 =	vsel vm0, $0x3F800000, v0;
	vm0 =	veq.s32 v15, v4;
	[tilespmem:s5+$0xFFFFFF80] =	vst v17;
	v17 =	vld.idx.msk [tilespmem:v11+s21+$0x0], $0xffff  }
0x360: {  	v11 =	vsel vm0, $0x3F800000, v0;
	vm0 =	veq.s32 v13, v2;
	v19 =	vld [tilespmem:s4+$0xFFFFFF90];
	[tilespmem:s24+$0xFFFFFFA0] =	vst v12  }
0x361: {  	vm1 =	veq.s32 v10, v16;
	v10 =	vsel vm0, $0x3F800000, v0;
	v13 =	vld [tilespmem:s17+$0xFFFFFFB0];
	[tilespmem:s2+$0xFFFFFFC0] =	vst v11  }
0x362: {  	v12 =	vsel vm1, $0x3F800000, v0;
	vm0 =	veq.s32 v14, v7;
	v11 =	vld [tilespmem:s16+$0xFFFFFFD0];
	[tilespmem:s15+$0xFFFFFFE0] =	vst v10  }
0x363: {  	v10 =	vsel vm0, $0x3F800000, v0;
	vm0 =	veq.s32 v9, v5;
	[tilespmem:s5+$0x0] =	vst v12;
	v9 =	vld [tilespmem:s14+$0xFFFFFFF0]  }
.Ltmp3:
0x364: {  	v15 =	vld [tilespmem:s4+$0x10];
	[tilespmem:s24+$0x20] =	vst v10;
	v10 =	vsel vm0, $0x3F800000, v0;
	(pc) =	sbr.rel @p1 .LBB2_8-.Ltmp3, $4  }
0x365: {  	vm0 =	veq.s32 v17, v1;
	v1 =	vmovc v3;
	v3 =	vmovc v5;
	v5 =	vmov v7;
	v7 =	vmov v16;
	v14 =	vld [tilespmem:s17+$0x30];
	[tilespmem:s2+$0x40] =	vst v10  }
0x366: {  	v16 =	vsel vm0, $0x3F800000, v0;
	v12 =	vld [tilespmem:s16+$0x50]  }
0x367: {  	v10 =	vld.idx.msk [tilespmem:v18+s21+$0x0], $0xffff;
	[tilespmem:s0+$0x70] =	vst v16;
	s0 =	smov.u32 s15;
	s15 =	smov.u32 s2;
	s2 =	smov.u32 s24  }
0x368: {  	s24 =	smov.u32 s5;
	v16 =	vld.idx.msk [tilespmem:v19+s21+$0x0], $0xffff  }
0x369: {  	_ =	sdelay $0x3  }
0x36a: {  	v15 =	vld.idx.msk [tilespmem:v15+s21+$0x0], $0xffff;
	_ =	sdelay $0x3  }
0x36b: {  	vm0 =	veq.s32 v16, v8  }
0x36c: {  	v16 =	vsel vm0, $0x3F800000, v0;
	vm8 =	veq.s32 v15, v7  }
0x36d: {  	[tilespmem:s5+$0xFFFFFF90] =	vst v16;
	v15 =	vsel vm8, $0x3F800000, v0  }
0x36e: {  	v16 =	vld [tilespmem:s26+$0xFFFFFFA0];
	[tilespmem:s5+$0x10] =	vst v15  }
0x36f: {  	v15 =	vld [tilespmem:s26+$0x20];
	_ =	sdelay $0x6  }
0x370: {  	v16 =	vld.idx.msk [tilespmem:v16+s21+$0x0], $0xffff  }
0x371: {  	v15 =	vld.idx.msk [tilespmem:v15+s21+$0x0], $0xffff;
	_ =	sdelay $0x3  }
0x372: {  	vm9 =	veq.s32 v16, v8  }
0x373: {  	v16 =	vsel vm9, $0x3F800000, v0;
	vm10 =	veq.s32 v15, v7  }
0x374: {  	[tilespmem:s24+$0xFFFFFFA0] =	vst v16;
	v15 =	vsel vm10, $0x3F800000, v0  }
0x375: {  	v16 =	vld [tilespmem:s26+$0xFFFFFFB0];
	[tilespmem:s24+$0x20] =	vst v15  }
0x376: {  	v15 =	vld [tilespmem:s26+$0x30];
	_ =	sdelay $0x3  }
0x377: {  	v13 =	vld.idx.msk [tilespmem:v13+s21+$0x0], $0xffff  }
0x378: {  	v14 =	vld.idx.msk [tilespmem:v14+s21+$0x0], $0xffff;
	_ =	sdelay $0x1  }
0x379: {  	v16 =	vld.idx.msk [tilespmem:v16+s21+$0x0], $0xffff  }
0x37a: {  	v15 =	vld.idx.msk [tilespmem:v15+s21+$0x0], $0xffff  }
0x37b: {  	vm11 =	veq.s32 v13, v6  }
0x37c: {  	v13 =	vsel vm11, $0x3F800000, v0;
	vm12 =	veq.s32 v14, v5  }
0x37d: {  	[tilespmem:s2+$0xFFFFFFB0] =	vst v13;
	v25 =	vsel vm12, $0x3F800000, v0  }
0x37e: {  	v26 =	vld [tilespmem:s17+$0xFFFFFFC0];
	[tilespmem:s2+$0x30] =	vst v25;
	vm13 =	veq.s32 v16, v8  }
0x37f: {  	v28 =	vld [tilespmem:s17+$0x40];
	v27 =	vsel vm13, $0x3F800000, v0;
	vm14 =	veq.s32 v15, v7  }
0x380: {  	[tilespmem:s24+$0xFFFFFFB0] =	vst v27;
	v29 =	vsel vm14, $0x3F800000, v0  }
0x381: {  	v30 =	vld [tilespmem:s26+$0xFFFFFFC0];
	[tilespmem:s24+$0x30] =	vst v29  }
0x382: {  	v13 =	vld [tilespmem:s26+$0x40];
	_ =	sdelay $0x3  }
0x383: {  	v14 =	vld.idx.msk [tilespmem:v26+s21+$0x0], $0xffff  }
0x384: {  	v15 =	vld.idx.msk [tilespmem:v28+s21+$0x0], $0xffff;
	_ =	sdelay $0x1  }
0x385: {  	v16 =	vld.idx.msk [tilespmem:v30+s21+$0x0], $0xffff  }
0x386: {  	v13 =	vld.idx.msk [tilespmem:v13+s21+$0x0], $0xffff  }
0x387: {  	vm15 =	veq.s32 v14, v6  }
0x388: {  	v14 =	vsel vm15, $0x3F800000, v0;
	vm4 =	veq.s32 v15, v5  }
0x389: {  	[tilespmem:s2+$0xFFFFFFC0] =	vst v14;
	v31 =	vsel vm4, $0x3F800000, v0  }
0x38a: {  	v32 =	vld [tilespmem:s17+$0xFFFFFFD0];
	[tilespmem:s2+$0x40] =	vst v31;
	vm5 =	veq.s32 v16, v8  }
0x38b: {  	v34 =	vld [tilespmem:s17+$0x50];
	v33 =	vsel vm5, $0x3F800000, v0;
	vm6 =	veq.s32 v13, v7  }
0x38c: {  	[tilespmem:s24+$0xFFFFFFC0] =	vst v33;
	v35 =	vsel vm6, $0x3F800000, v0  }
0x38d: {  	v36 =	vld [tilespmem:s26+$0xFFFFFFD0];
	[tilespmem:s24+$0x40] =	vst v35  }
0x38e: {  	v14 =	vld [tilespmem:s26+$0x50];
	_ =	sdelay $0x2  }
0x38f: {  	v12 =	vld.idx.msk [tilespmem:v12+s21+$0x0], $0xffff  }
0x390: {  	v15 =	vld.idx.msk [tilespmem:v32+s21+$0x0], $0xffff  }
0x391: {  	v13 =	vld.idx.msk [tilespmem:v34+s21+$0x0], $0xffff  }
0x392: {  	v11 =	vld.idx.msk [tilespmem:v11+s21+$0x0], $0xffff  }
0x393: {  	v16 =	vld.idx.msk [tilespmem:v36+s21+$0x0], $0xffff  }
0x394: {  	vm8 =	veq.s32 v12, v3;
	v37 =	vld.idx.msk [tilespmem:v14+s21+$0x0], $0xffff  }
0x395: {  	v12 =	vsel vm8, $0x3F800000, v0;
	vm9 =	veq.s32 v15, v6  }
0x396: {  	[tilespmem:s15+$0x50] =	vst v12;
	v39 =	vsel vm9, $0x3F800000, v0;
	vm10 =	veq.s32 v13, v5  }
0x397: {  	vm7 =	veq.s32 v11, v4;
	v40 =	vld [tilespmem:s16+$0x60];
	[tilespmem:s2+$0xFFFFFFD0] =	vst v39;
	v41 =	vsel vm10, $0x3F800000, v0  }
0x398: {  	v38 =	vsel vm7, $0x3F800000, v0;
	v42 =	vld [tilespmem:s17+$0xFFFFFFE0];
	[tilespmem:s2+$0x50] =	vst v41;
	vm11 =	veq.s32 v16, v8  }
0x399: {  	[tilespmem:s15+$0xFFFFFFD0] =	vst v38;
	v44 =	vld [tilespmem:s17+$0x60];
	v43 =	vsel vm11, $0x3F800000, v0;
	vm12 =	veq.s32 v37, v7  }
0x39a: {  	v14 =	vld [tilespmem:s16+$0xFFFFFFE0];
	[tilespmem:s24+$0xFFFFFFD0] =	vst v43;
	v45 =	vsel vm12, $0x3F800000, v0  }
0x39b: {  	v46 =	vld [tilespmem:s26+$0xFFFFFFE0];
	[tilespmem:s24+$0x50] =	vst v45  }
0x39c: {  	v12 =	vld [tilespmem:s26+$0x60];
	_ =	sdelay $0x2  }
0x39d: {  	v13 =	vld.idx.msk [tilespmem:v40+s21+$0x0], $0xffff  }
0x39e: {  	v15 =	vld.idx.msk [tilespmem:v42+s21+$0x0], $0xffff  }
0x39f: {  	v11 =	vld.idx.msk [tilespmem:v44+s21+$0x0], $0xffff  }
0x3a0: {  	v14 =	vld.idx.msk [tilespmem:v14+s21+$0x0], $0xffff  }
0x3a1: {  	vm13 =	veq.s32 v10, v1;
	v47 =	vld.idx.msk [tilespmem:v46+s21+$0x0], $0xffff  }
0x3a2: {  	v48 =	vsel vm13, $0x3F800000, v0;
	vm15 =	veq.s32 v13, v3;
	v12 =	vld.idx.msk [tilespmem:v12+s21+$0x0], $0xffff  }
0x3a3: {  	v9 =	vld.idx.msk [tilespmem:v9+s21+$0x0], $0xffff;
	[tilespmem:s0+$0x60] =	vst v48;
	vm4 =	veq.s32 v15, v6;
	v50 =	vsel vm15, $0x3F800000, v0  }
0x3a4: {  	v49 =	vld [tilespmem:s14+$0x70];
	v52 =	vsel vm4, $0x3F800000, v0;
	[tilespmem:s15+$0x60] =	vst v50;
	vm5 =	veq.s32 v11, v5  }
0x3a5: {  	[tilespmem:s2+$0xFFFFFFE0] =	vst v52;
	v53 =	vld [tilespmem:s16+$0x70];
	v54 =	vsel vm5, $0x3F800000, v0;
	vm14 =	veq.s32 v14, v4  }
0x3a6: {  	v55 =	vld [tilespmem:s17+$0xFFFFFFF0];
	[tilespmem:s2+$0x60] =	vst v54;
	v14 =	vsel vm14, $0x3F800000, v0;
	vm6 =	veq.s32 v47, v8  }
0x3a7: {  	v57 =	vld [tilespmem:s17+$0x70];
	[tilespmem:s15+$0xFFFFFFE0] =	vst v14;
	v56 =	vsel vm6, $0x3F800000, v0;
	vm7 =	veq.s32 v12, v7  }
0x3a8: {  	v51 =	vld [tilespmem:s16+$0xFFFFFFF0];
	[tilespmem:s24+$0xFFFFFFE0] =	vst v56;
	v58 =	vsel vm7, $0x3F800000, v0  }
0x3a9: {  	v59 =	vld [tilespmem:s26+$0xFFFFFFF0];
	[tilespmem:s24+$0x60] =	vst v58  }
0x3aa: {  	v14 =	vld [tilespmem:s26+$0x70];
	_ =	sdelay $0x1  }
0x3ab: {  	v13 =	vld.idx.msk [tilespmem:v49+s21+$0x0], $0xffff  }
0x3ac: {  	v11 =	vld.idx.msk [tilespmem:v53+s21+$0x0], $0xffff  }
0x3ad: {  	v10 =	vld.idx.msk [tilespmem:v55+s21+$0x0], $0xffff  }
0x3ae: {  	vm8 =	veq.s32 v9, v2;
	v2 =	vld.idx.msk [tilespmem:v57+s21+$0x0], $0xffff  }
0x3af: {  	v15 =	vld.idx.msk [tilespmem:v51+s21+$0x0], $0xffff  }
0x3b0: {  	v9 =	vsel vm8, $0x3F800000, v0;
	vm9 =	veq.s32 v13, v1;
	v1 =	vld.idx.msk [tilespmem:v59+s21+$0x0], $0xffff  }
0x3b1: {  	[tilespmem:s0+$0xFFFFFFF0] =	vst v9;
	v60 =	vsel vm9, $0x3F800000, v0;
	vm11 =	veq.s32 v11, v3;
	v61 =	vld.idx.msk [tilespmem:v14+s21+$0x0], $0xffff  }
0x3b2: {  	[tilespmem:s0+$0x70] =	vst v60;
	vm12 =	veq.s32 v10, v6;
	v3 =	vsel vm11, $0x3F800000, v0  }
0x3b3: {  	[tilespmem:s15+$0x70] =	vst v3;
	v3 =	vsel vm12, $0x3F800000, v0;
	vm13 =	veq.s32 v2, v5  }
0x3b4: {  	[tilespmem:s2+$0xFFFFFFF0] =	vst v3;
	v2 =	vsel vm13, $0x3F800000, v0;
	vm10 =	veq.s32 v15, v4  }
0x3b5: {  	[tilespmem:s2+$0x70] =	vst v2;
	v62 =	vsel vm10, $0x3F800000, v0;
	vm14 =	veq.s32 v1, v8  }
0x3b6: {  	[tilespmem:s15+$0xFFFFFFF0] =	vst v62;
	v1 =	vsel vm14, $0x3F800000, v0;
	vm15 =	veq.s32 v61, v7  }
0x3b7: {  	[tilespmem:s24+$0xFFFFFFF0] =	vst v1;
	v1 =	vsel vm15, $0x3F800000, v0  }
0x3b8: {  	s1 =	sadd.s32 $0x1, s1;
	s26 =	simm.s32 $0x1EFF0;
	[tilespmem:s24+$0x70] =	vst v1  }
0x3b9: {  	[hbm4b:s12+s3] =	stream.linear.scatter [tilespmem:s26], [sflag:$0x7], $0x1000, $0x38;
	v63 =	vld [tilespmem:$0x0]  }
0x3ba: {  	p1 =	sne.s32 s1, s13;
	_ =	swait.ge [sflag:s29], $0x1000  }
.Ltmp4:
0x3bb: {  	[sflag:s29] =	ssyncset.done $0x0;
	(pc) =	sbr.rel @p1 .LBB2_1-.Ltmp4, $4  }
0x3bc: {  	[sflag:s29] =	ssyncadd.s32 $0xFFFFF000  }
0x3bd: {  	_ =	swait.ge [sflag:s31], $0x1000  }
0x3be: {  	[sflag:s31] =	ssyncset.done $0x0  }
0x3bf: {  	[sflag:s31] =	ssyncadd.s32 $0xFFFFF000  }
0x3c0: {  	_ =	sfence.sel $0x180000  }
0x3c1: {  	[bflag:$0x0] =	sbarrier.arrive $0xFFFF  }
0x3c2: {  	_ =	strace $0x90000047  }
0x3c3: {  	[bflag:$0x2] =	sbarrier.arrive $0xFFFF  }
0x3c4: {  	s0 =	rddreg [dreg:$0x5]  }
0x3c5: {  	s0 =	sadd.s32 @!p0 $0x100000, s0  }
0x3c6: {  	[sflag:s0] =	ssyncadd.tile.s32 @!p0 $0x1;
	_ =	shalt  }
.Lfunc_end2:
_tile_overlayer_lowered:
.L_overlay_start_2:
0x3c7: {  	(tag) =	ssettag $0x2  }
0x3c8: {  	s0 =	rddreg [dreg:$0x0];
	s2 =	stileid.u32  }
0x3c9: {  	s1 =	rddreg [dreg:$0x1];
	p0 =	sne.s32 s2, $0x0  }
0x3ca: {  	s3 =	rddreg [dreg:$0x2];
	[bflag:$0x3] =	sbarrier.arrive $0xFFFF;
	s2 =	simm.s32 @!p0 $0x1C08  }
0x3cb: {  	[timem:s3], [sflag:s2] =	dma.local @!p0 [hbm:s0], s1  }
0x3cc: {  	s0 =	simm.s32 @!p0 $0x8  }
0x3cd: {  	_ =	swait.ge @!p0 [sflag:s0], s1  }
0x3ce: {  	s1 =	ssub.s32 @!p0 $0x0, s1;
	[sflag:s0] =	ssyncset.done @!p0 $0x0  }
0x3cf: {  	[sflag:s0] =	ssyncadd.s32 @!p0 s1  }
0x3d0: {  	[bflag:$0x3] =	sbarrier.arrive $0xFFFF  }
0x3d1: {  	_ =	shalt  }

</sc_bundles>
